<compile_context>
chip_gen: v7x
topology: tpu7x:2x2x1
jax: 0.10.2.dev20260603
libtpu: 0.0.44.dev20260713+nightly
codegen_flags: <defaults>
</compile_context>

<pallas_src>
import functools

import jax
import jax.numpy as jnp
from jax import lax
from jax.experimental import pallas as pl
from jax.experimental.pallas import tpu as pltpu
from jax.experimental.pallas import tpu_sc as plsc

_NUM_BINS = 128
_N_SCALES = 4
_LAM_V = (0.97, 0.95, 0.9, 0.85)
_LAM_A = (0.97, 0.95, 0.9, 0.85)
_W_SCALE = 1.0 / _N_SCALES
_WD = 1e-05
_CLIP = 0.01

_NC = 2
_NS = 16
_NW = _NC * _NS
_L = 16


@functools.lru_cache(maxsize=None)
def _make_sc_hist(n):
    per = n // _NW
    mesh = plsc.VectorSubcoreMesh(core_axis_name="c", subcore_axis_name="s")

    @functools.partial(
        pl.kernel,
        out_type=jax.ShapeDtypeStruct((_NW, 2 * _NUM_BINS), jnp.float32),
        mesh=mesh,
        compiler_params=pltpu.CompilerParams(needs_layout_passes=False),
        scratch_types=[
            pltpu.VMEM((per,), jnp.int32),
            pltpu.VMEM((per,), jnp.int32),
            pltpu.VMEM((2 * _NUM_BINS * _L,), jnp.float32),
            pltpu.VMEM((2 * _NUM_BINS,), jnp.float32),
            pltpu.SemaphoreType.DMA,
            pltpu.SemaphoreType.DMA,
        ],
    )
    def hist_kernel(v_hbm, a_hbm, out_hbm, vbuf, abuf, hist, merged,
                    sem0, sem1):
        cid = lax.axis_index("c")
        sid = lax.axis_index("s")
        wid = sid * _NC + cid
        base = wid * per
        cp_v = pltpu.async_copy(v_hbm.at[pl.ds(base, per)], vbuf, sem0)
        cp_a = pltpu.async_copy(a_hbm.at[pl.ds(base, per)], abuf, sem1)

        zeros = jnp.zeros((_L,), jnp.float32)
        lane = lax.iota(jnp.int32, 16)

        def zbody(k, carry):
            for j in range(16):
                hist[pl.ds((k * 16 + j) * _L, _L)] = zeros
            return carry

        lax.fori_loop(0, 2 * _NUM_BINS // 16, zbody, 0)

        ones = jnp.ones((_L,), jnp.float32)
        aoff = lane + _NUM_BINS * _L

        unroll = 16

        cp_v.wait()
        cp_a.wait()

        def body(i, carry):
            vb = i * (unroll * _L)
            vvecs = [
                (vbuf[pl.ds(vb + u * _L, _L)] << 4) | lane
                for u in range(unroll)
            ]
            avecs = [
                (abuf[pl.ds(vb + u * _L, _L)] << 4) + aoff
                for u in range(unroll)
            ]
            for u in range(unroll):
                plsc.addupdate_scatter(hist, [vvecs[u]], ones)
            for u in range(unroll):
                plsc.addupdate_scatter(hist, [avecs[u]], ones)
            return carry

        lax.fori_loop(0, (per // _L) // unroll, body, 0)

        lane16 = lane << 4

        def mbody(v, carry):
            vbase = v * (_L * _L)
            acc = jnp.zeros((_L,), jnp.float32)
            for l in range(_L):
                acc = acc + plsc.load_gather(hist, [lane16 + (vbase + l)])
            merged[pl.ds(v * _L, _L)] = acc
            return carry

        lax.fori_loop(0, 2 * _NUM_BINS // _L, mbody, 0)

        pltpu.sync_copy(merged, out_hbm.at[wid])

    return hist_kernel


def _tc_body(partial_ref, vtr_ref, atr_ref, assoc_ref, out_ref):
    counts = jnp.sum(partial_ref[...], axis=0)
    cv = counts[0:_NUM_BINS]
    ca = counts[_NUM_BINS:2 * _NUM_BINS]
    vtr = vtr_ref[...]
    atr = atr_ref[...]
    acc = (-_WD) * assoc_ref[...]
    shape = (_NUM_BINS, _NUM_BINS)
    for s in range(_N_SCALES):
        vt = _LAM_V[s] * vtr[s] + cv
        at = _LAM_A[s] * atr[s] + ca
        acc = acc + _W_SCALE * (
            lax.broadcast_in_dim(vt, shape, (0,))
            * lax.broadcast_in_dim(at, shape, (1,))
        )
    out_ref[...] = jnp.clip(acc, -_CLIP, _CLIP)


def kernel(visual_codes, audio_codes, visual_traces, audio_traces, association):
    n = visual_codes.shape[0]
    partial = _make_sc_hist(n)(visual_codes, audio_codes)
    update = pl.pallas_call(
        _tc_body,
        out_shape=jax.ShapeDtypeStruct((_NUM_BINS, _NUM_BINS), jnp.float32),
    )(partial, visual_traces, audio_traces, association)
    return update

# --- scband reference (transcript-rebuilt; emitter-appended) ---
"""Pipeline reference for scband-temporal-association-module-2130303779123 (READ-ONLY COPY).

The authoritative reference and input builder live on the scoring server;
editing this copy changes nothing except your own understanding.
"""

import jax, jax.numpy as jnp
import numpy as np

NUM_CODES = 128
N_SCALES = 4
SCALE_WEIGHTS = jnp.ones((N_SCALES,), dtype=jnp.float32) / float(N_SCALES)
LAMBDA_V = [0.97, 0.95, 0.9, 0.85]
LAMBDA_A = [0.97, 0.95, 0.9, 0.85]
LR = 0.01
WD = 1e-05
CLIP = 0.01


def setup_inputs(seed: int = 0) -> dict:
    key = jax.random.key(seed)
    k1, k2 = jax.random.split(key)
    N = 1048576
    return {
        "visual_codes": jax.random.randint(k1, (N,), 0, NUM_CODES, dtype=jnp.int32),
        "audio_codes": jax.random.randint(k2, (N,), 0, NUM_CODES, dtype=jnp.int32),
        # module buffers (fresh state, all zeros, as in a newly constructed module)
        "visual_traces": jnp.zeros((N_SCALES, NUM_CODES), dtype=jnp.float32),
        "audio_traces": jnp.zeros((N_SCALES, NUM_CODES), dtype=jnp.float32),
        "association": jnp.zeros((NUM_CODES, NUM_CODES), dtype=jnp.float32),
    }


def reference(visual_codes, audio_codes, visual_traces, audio_traces, association):
    # _counts: bincount over the code stream (scatter-add), cast to float
    counts_v = jnp.bincount(visual_codes, length=NUM_CODES).astype(jnp.float32)
    counts_a = jnp.bincount(audio_codes, length=NUM_CODES).astype(jnp.float32)
    weighted = jnp.zeros((NUM_CODES, NUM_CODES), dtype=jnp.float32)
    for s in range(N_SCALES):
        # trace update: trace <- lambda * trace + counts
        vt = LAMBDA_V[s] * visual_traces[s] + counts_v
        at = LAMBDA_A[s] * audio_traces[s] + counts_a
        weighted = weighted + SCALE_WEIGHTS[s] * jnp.outer(vt, at)
    update = weighted - WD * association
    update = jnp.clip(update, -CLIP, CLIP)
    # (the torch module also does association += LR * update in-place; the
    #  returned value of step() is `update`, which we reproduce here)
    return update

if __name__ == "__main__":
    import jax
    _d = setup_inputs()
    print(jax.jit(kernel)(*tuple(_d.values())))

</pallas_src>

<mosaic_0001>
#map = affine_map<(d0, d1) -> (0)>
#map1 = affine_map<(d0, d1) -> (0, 0)>
module attributes {stable_mosaic.version = 14 : i64} {
  func.func @hist_kernel(%arg0: i32, %arg1: i32, %arg2: memref<1048576xi32, #tpu.memory_space<hbm>>, %arg3: memref<1048576xi32, #tpu.memory_space<hbm>>, %arg4: memref<32x256xf32, #tpu.memory_space<hbm>>, %arg5: memref<32768xi32, #tpu.memory_space<vmem>>, %arg6: memref<32768xi32, #tpu.memory_space<vmem>>, %arg7: memref<4096xf32, #tpu.memory_space<vmem>>, %arg8: memref<256xf32, #tpu.memory_space<vmem>>, %arg9: memref<!tpu.dma_semaphore, #tpu.memory_space<semaphore_mem>>, %arg10: memref<!tpu.dma_semaphore, #tpu.memory_space<semaphore_mem>>) attributes {dimension_semantics = [#tpu.dimension_semantics<core_parallel>, #tpu.dimension_semantics<subcore_parallel>], iteration_bounds = array<i64: 2, 16>, scalar_prefetch = 0 : i64, scratch_operands = 6 : i64, tpu.core_type = #tpu.core_type<sc_vector_subcore>, window_params = [{transform_indices = #map}, {transform_indices = #map}, {transform_indices = #map1}]} {
    %mul3A = arith.constant 2 : i32
    %mul3A_0 = arith.muli %arg1, %mul3A : i32
    %add3A = arith.addi %mul3A_0, %arg0 : i32
    %mul3A_1 = arith.constant 32768 : i32
    %mul3A_2 = arith.muli %add3A, %mul3A_1 : i32
    %dma_start3A = tpu.memref_slice %arg2[%mul3A_2] : memref<1048576xi32, #tpu.memory_space<hbm>> -> memref<32768xi32, #tpu.memory_space<hbm>>
    %dma_start3A_3 = tpu.memref_slice %arg2[%mul3A_2] : memref<1048576xi32, #tpu.memory_space<hbm>> -> memref<32768xi32, #tpu.memory_space<hbm>>
    tpu.enqueue_dma source(%dma_start3A_3 : memref<32768xi32, #tpu.memory_space<hbm>>) target(%arg5 : memref<32768xi32, #tpu.memory_space<vmem>>) target_semaphore(%arg9 : memref<!tpu.dma_semaphore, #tpu.memory_space<semaphore_mem>>)
    %dma_start3A_4 = tpu.memref_slice %arg3[%mul3A_2] : memref<1048576xi32, #tpu.memory_space<hbm>> -> memref<32768xi32, #tpu.memory_space<hbm>>
    %dma_start3A_5 = tpu.memref_slice %arg3[%mul3A_2] : memref<1048576xi32, #tpu.memory_space<hbm>> -> memref<32768xi32, #tpu.memory_space<hbm>>
    tpu.enqueue_dma source(%dma_start3A_5 : memref<32768xi32, #tpu.memory_space<hbm>>) target(%arg6 : memref<32768xi32, #tpu.memory_space<vmem>>) target_semaphore(%arg10 : memref<!tpu.dma_semaphore, #tpu.memory_space<semaphore_mem>>)
    %broadcast_in_dim3A = arith.constant 0.000000e+00 : f32
    %broadcast_in_dim3A_6 = vector.broadcast %broadcast_in_dim3A : f32 to vector<16xf32>
    %iota3A = tpu.iota {dimensions = array<i32: 0>} : vector<16xi32>
    %scan3A = arith.constant 0 : i32
    %scan3A_7 = arith.constant 0 : i32
    %scan3A_8 = arith.constant 16 : i32
    %scan3A_9 = arith.addi %scan3A_7, %scan3A_8 : i32
    %scan3A_10 = arith.constant 1 : i32
    scf.for %scan3A_34 = %scan3A_7 to %scan3A_9 step %scan3A_10  : i32 {
      %mul3A_35 = arith.constant 16 : i32
      %mul3A_36 = arith.muli %scan3A_34, %mul3A_35 : i32
      %add3A_37 = arith.constant 0 : i32
      %add3A_38 = arith.addi %mul3A_36, %add3A_37 : i32
      %mul3A_39 = arith.constant 16 : i32
      %mul3A_40 = arith.muli %add3A_38, %mul3A_39 : i32
      %swap3A = arith.index_cast %mul3A_40 : i32 to index
      %swap3A_41 = tpu.vector_load %arg7[%swap3A] {strides = array<i32>} : memref<4096xf32, #tpu.memory_space<vmem>>, vector<16xf32>,
      tpu.vector_store %arg7[%swap3A], %broadcast_in_dim3A_6 {strides = array<i32>} : memref<4096xf32, #tpu.memory_space<vmem>>, vector<16xf32>,
      %mul3A_42 = arith.constant 16 : i32
      %mul3A_43 = arith.muli %scan3A_34, %mul3A_42 : i32
      %add3A_44 = arith.constant 1 : i32
      %add3A_45 = arith.addi %mul3A_43, %add3A_44 : i32
      %mul3A_46 = arith.constant 16 : i32
      %mul3A_47 = arith.muli %add3A_45, %mul3A_46 : i32
      %swap3A_48 = arith.index_cast %mul3A_47 : i32 to index
      %swap3A_49 = tpu.vector_load %arg7[%swap3A_48] {strides = array<i32>} : memref<4096xf32, #tpu.memory_space<vmem>>, vector<16xf32>,
      tpu.vector_store %arg7[%swap3A_48], %broadcast_in_dim3A_6 {strides = array<i32>} : memref<4096xf32, #tpu.memory_space<vmem>>, vector<16xf32>,
      %mul3A_50 = arith.constant 16 : i32
      %mul3A_51 = arith.muli %scan3A_34, %mul3A_50 : i32
      %add3A_52 = arith.constant 2 : i32
      %add3A_53 = arith.addi %mul3A_51, %add3A_52 : i32
      %mul3A_54 = arith.constant 16 : i32
      %mul3A_55 = arith.muli %add3A_53, %mul3A_54 : i32
      %swap3A_56 = arith.index_cast %mul3A_55 : i32 to index
      %swap3A_57 = tpu.vector_load %arg7[%swap3A_56] {strides = array<i32>} : memref<4096xf32, #tpu.memory_space<vmem>>, vector<16xf32>,
      tpu.vector_store %arg7[%swap3A_56], %broadcast_in_dim3A_6 {strides = array<i32>} : memref<4096xf32, #tpu.memory_space<vmem>>, vector<16xf32>,
      %mul3A_58 = arith.constant 16 : i32
      %mul3A_59 = arith.muli %scan3A_34, %mul3A_58 : i32
      %add3A_60 = arith.constant 3 : i32
      %add3A_61 = arith.addi %mul3A_59, %add3A_60 : i32
      %mul3A_62 = arith.constant 16 : i32
      %mul3A_63 = arith.muli %add3A_61, %mul3A_62 : i32
      %swap3A_64 = arith.index_cast %mul3A_63 : i32 to index
      %swap3A_65 = tpu.vector_load %arg7[%swap3A_64] {strides = array<i32>} : memref<4096xf32, #tpu.memory_space<vmem>>, vector<16xf32>,
      tpu.vector_store %arg7[%swap3A_64], %broadcast_in_dim3A_6 {strides = array<i32>} : memref<4096xf32, #tpu.memory_space<vmem>>, vector<16xf32>,
      %mul3A_66 = arith.constant 16 : i32
      %mul3A_67 = arith.muli %scan3A_34, %mul3A_66 : i32
      %add3A_68 = arith.constant 4 : i32
      %add3A_69 = arith.addi %mul3A_67, %add3A_68 : i32
      %mul3A_70 = arith.constant 16 : i32
      %mul3A_71 = arith.muli %add3A_69, %mul3A_70 : i32
      %swap3A_72 = arith.index_cast %mul3A_71 : i32 to index
      %swap3A_73 = tpu.vector_load %arg7[%swap3A_72] {strides = array<i32>} : memref<4096xf32, #tpu.memory_space<vmem>>, vector<16xf32>,
      tpu.vector_store %arg7[%swap3A_72], %broadcast_in_dim3A_6 {strides = array<i32>} : memref<4096xf32, #tpu.memory_space<vmem>>, vector<16xf32>,
      %mul3A_74 = arith.constant 16 : i32
      %mul3A_75 = arith.muli %scan3A_34, %mul3A_74 : i32
      %add3A_76 = arith.constant 5 : i32
      %add3A_77 = arith.addi %mul3A_75, %add3A_76 : i32
      %mul3A_78 = arith.constant 16 : i32
      %mul3A_79 = arith.muli %add3A_77, %mul3A_78 : i32
      %swap3A_80 = arith.index_cast %mul3A_79 : i32 to index
      %swap3A_81 = tpu.vector_load %arg7[%swap3A_80] {strides = array<i32>} : memref<4096xf32, #tpu.memory_space<vmem>>, vector<16xf32>,
      tpu.vector_store %arg7[%swap3A_80], %broadcast_in_dim3A_6 {strides = array<i32>} : memref<4096xf32, #tpu.memory_space<vmem>>, vector<16xf32>,
      %mul3A_82 = arith.constant 16 : i32
      %mul3A_83 = arith.muli %scan3A_34, %mul3A_82 : i32
      %add3A_84 = arith.constant 6 : i32
      %add3A_85 = arith.addi %mul3A_83, %add3A_84 : i32
      %mul3A_86 = arith.constant 16 : i32
      %mul3A_87 = arith.muli %add3A_85, %mul3A_86 : i32
      %swap3A_88 = arith.index_cast %mul3A_87 : i32 to index
      %swap3A_89 = tpu.vector_load %arg7[%swap3A_88] {strides = array<i32>} : memref<4096xf32, #tpu.memory_space<vmem>>, vector<16xf32>,
      tpu.vector_store %arg7[%swap3A_88], %broadcast_in_dim3A_6 {strides = array<i32>} : memref<4096xf32, #tpu.memory_space<vmem>>, vector<16xf32>,
      %mul3A_90 = arith.constant 16 : i32
      %mul3A_91 = arith.muli %scan3A_34, %mul3A_90 : i32
      %add3A_92 = arith.constant 7 : i32
      %add3A_93 = arith.addi %mul3A_91, %add3A_92 : i32
      %mul3A_94 = arith.constant 16 : i32
      %mul3A_95 = arith.muli %add3A_93, %mul3A_94 : i32
      %swap3A_96 = arith.index_cast %mul3A_95 : i32 to index
      %swap3A_97 = tpu.vector_load %arg7[%swap3A_96] {strides = array<i32>} : memref<4096xf32, #tpu.memory_space<vmem>>, vector<16xf32>,
      tpu.vector_store %arg7[%swap3A_96], %broadcast_in_dim3A_6 {strides = array<i32>} : memref<4096xf32, #tpu.memory_space<vmem>>, vector<16xf32>,
      %mul3A_98 = arith.constant 16 : i32
      %mul3A_99 = arith.muli %scan3A_34, %mul3A_98 : i32
      %add3A_100 = arith.constant 8 : i32
      %add3A_101 = arith.addi %mul3A_99, %add3A_100 : i32
      %mul3A_102 = arith.constant 16 : i32
      %mul3A_103 = arith.muli %add3A_101, %mul3A_102 : i32
      %swap3A_104 = arith.index_cast %mul3A_103 : i32 to index
      %swap3A_105 = tpu.vector_load %arg7[%swap3A_104] {strides = array<i32>} : memref<4096xf32, #tpu.memory_space<vmem>>, vector<16xf32>,
      tpu.vector_store %arg7[%swap3A_104], %broadcast_in_dim3A_6 {strides = array<i32>} : memref<4096xf32, #tpu.memory_space<vmem>>, vector<16xf32>,
      %mul3A_106 = arith.constant 16 : i32
      %mul3A_107 = arith.muli %scan3A_34, %mul3A_106 : i32
      %add3A_108 = arith.constant 9 : i32
      %add3A_109 = arith.addi %mul3A_107, %add3A_108 : i32
      %mul3A_110 = arith.constant 16 : i32
      %mul3A_111 = arith.muli %add3A_109, %mul3A_110 : i32
      %swap3A_112 = arith.index_cast %mul3A_111 : i32 to index
      %swap3A_113 = tpu.vector_load %arg7[%swap3A_112] {strides = array<i32>} : memref<4096xf32, #tpu.memory_space<vmem>>, vector<16xf32>,
      tpu.vector_store %arg7[%swap3A_112], %broadcast_in_dim3A_6 {strides = array<i32>} : memref<4096xf32, #tpu.memory_space<vmem>>, vector<16xf32>,
      %mul3A_114 = arith.constant 16 : i32
      %mul3A_115 = arith.muli %scan3A_34, %mul3A_114 : i32
      %add3A_116 = arith.constant 10 : i32
      %add3A_117 = arith.addi %mul3A_115, %add3A_116 : i32
      %mul3A_118 = arith.constant 16 : i32
      %mul3A_119 = arith.muli %add3A_117, %mul3A_118 : i32
      %swap3A_120 = arith.index_cast %mul3A_119 : i32 to index
      %swap3A_121 = tpu.vector_load %arg7[%swap3A_120] {strides = array<i32>} : memref<4096xf32, #tpu.memory_space<vmem>>, vector<16xf32>,
      tpu.vector_store %arg7[%swap3A_120], %broadcast_in_dim3A_6 {strides = array<i32>} : memref<4096xf32, #tpu.memory_space<vmem>>, vector<16xf32>,
      %mul3A_122 = arith.constant 16 : i32
      %mul3A_123 = arith.muli %scan3A_34, %mul3A_122 : i32
      %add3A_124 = arith.constant 11 : i32
      %add3A_125 = arith.addi %mul3A_123, %add3A_124 : i32
      %mul3A_126 = arith.constant 16 : i32
      %mul3A_127 = arith.muli %add3A_125, %mul3A_126 : i32
      %swap3A_128 = arith.index_cast %mul3A_127 : i32 to index
      %swap3A_129 = tpu.vector_load %arg7[%swap3A_128] {strides = array<i32>} : memref<4096xf32, #tpu.memory_space<vmem>>, vector<16xf32>,
      tpu.vector_store %arg7[%swap3A_128], %broadcast_in_dim3A_6 {strides = array<i32>} : memref<4096xf32, #tpu.memory_space<vmem>>, vector<16xf32>,
      %mul3A_130 = arith.constant 16 : i32
      %mul3A_131 = arith.muli %scan3A_34, %mul3A_130 : i32
      %add3A_132 = arith.constant 12 : i32
      %add3A_133 = arith.addi %mul3A_131, %add3A_132 : i32
      %mul3A_134 = arith.constant 16 : i32
      %mul3A_135 = arith.muli %add3A_133, %mul3A_134 : i32
      %swap3A_136 = arith.index_cast %mul3A_135 : i32 to index
      %swap3A_137 = tpu.vector_load %arg7[%swap3A_136] {strides = array<i32>} : memref<4096xf32, #tpu.memory_space<vmem>>, vector<16xf32>,
      tpu.vector_store %arg7[%swap3A_136], %broadcast_in_dim3A_6 {strides = array<i32>} : memref<4096xf32, #tpu.memory_space<vmem>>, vector<16xf32>,
      %mul3A_138 = arith.constant 16 : i32
      %mul3A_139 = arith.muli %scan3A_34, %mul3A_138 : i32
      %add3A_140 = arith.constant 13 : i32
      %add3A_141 = arith.addi %mul3A_139, %add3A_140 : i32
      %mul3A_142 = arith.constant 16 : i32
      %mul3A_143 = arith.muli %add3A_141, %mul3A_142 : i32
      %swap3A_144 = arith.index_cast %mul3A_143 : i32 to index
      %swap3A_145 = tpu.vector_load %arg7[%swap3A_144] {strides = array<i32>} : memref<4096xf32, #tpu.memory_space<vmem>>, vector<16xf32>,
      tpu.vector_store %arg7[%swap3A_144], %broadcast_in_dim3A_6 {strides = array<i32>} : memref<4096xf32, #tpu.memory_space<vmem>>, vector<16xf32>,
      %mul3A_146 = arith.constant 16 : i32
      %mul3A_147 = arith.muli %scan3A_34, %mul3A_146 : i32
      %add3A_148 = arith.constant 14 : i32
      %add3A_149 = arith.addi %mul3A_147, %add3A_148 : i32
      %mul3A_150 = arith.constant 16 : i32
      %mul3A_151 = arith.muli %add3A_149, %mul3A_150 : i32
      %swap3A_152 = arith.index_cast %mul3A_151 : i32 to index
      %swap3A_153 = tpu.vector_load %arg7[%swap3A_152] {strides = array<i32>} : memref<4096xf32, #tpu.memory_space<vmem>>, vector<16xf32>,
      tpu.vector_store %arg7[%swap3A_152], %broadcast_in_dim3A_6 {strides = array<i32>} : memref<4096xf32, #tpu.memory_space<vmem>>, vector<16xf32>,
      %mul3A_154 = arith.constant 16 : i32
      %mul3A_155 = arith.muli %scan3A_34, %mul3A_154 : i32
      %add3A_156 = arith.constant 15 : i32
      %add3A_157 = arith.addi %mul3A_155, %add3A_156 : i32
      %mul3A_158 = arith.constant 16 : i32
      %mul3A_159 = arith.muli %add3A_157, %mul3A_158 : i32
      %swap3A_160 = arith.index_cast %mul3A_159 : i32 to index
      %swap3A_161 = tpu.vector_load %arg7[%swap3A_160] {strides = array<i32>} : memref<4096xf32, #tpu.memory_space<vmem>>, vector<16xf32>,
      tpu.vector_store %arg7[%swap3A_160], %broadcast_in_dim3A_6 {strides = array<i32>} : memref<4096xf32, #tpu.memory_space<vmem>>, vector<16xf32>,
    }
    %scan3A_11 = arith.constant 16 : i32
    %broadcast_in_dim3A_12 = arith.constant 1.000000e+00 : f32
    %broadcast_in_dim3A_13 = vector.broadcast %broadcast_in_dim3A_12 : f32 to vector<16xf32>
    %add3A_14 = arith.constant 2048 : i32
    %add3A_15 = vector.broadcast %add3A_14 : i32 to vector<16xi32>
    %add3A_16 = arith.addi %iota3A, %add3A_15 : vector<16xi32>
    %dma_wait3A = tpu.memref_slice %arg2[%mul3A_2] : memref<1048576xi32, #tpu.memory_space<hbm>> -> memref<32768xi32, #tpu.memory_space<hbm>>
    %dma_wait3A_17 = tpu.memref_slice %arg2[%mul3A_2] : memref<1048576xi32, #tpu.memory_space<hbm>> -> memref<32768xi32, #tpu.memory_space<hbm>>
    tpu.wait_dma2 semaphore(%arg9 : memref<!tpu.dma_semaphore, #tpu.memory_space<semaphore_mem>>) src(%dma_wait3A_17 : memref<32768xi32, #tpu.memory_space<hbm>>) dst(%arg5 : memref<32768xi32, #tpu.memory_space<vmem>>)
    %dma_wait3A_18 = tpu.memref_slice %arg3[%mul3A_2] : memref<1048576xi32, #tpu.memory_space<hbm>> -> memref<32768xi32, #tpu.memory_space<hbm>>
    %dma_wait3A_19 = tpu.memref_slice %arg3[%mul3A_2] : memref<1048576xi32, #tpu.memory_space<hbm>> -> memref<32768xi32, #tpu.memory_space<hbm>>
    tpu.wait_dma2 semaphore(%arg10 : memref<!tpu.dma_semaphore, #tpu.memory_space<semaphore_mem>>) src(%dma_wait3A_19 : memref<32768xi32, #tpu.memory_space<hbm>>) dst(%arg6 : memref<32768xi32, #tpu.memory_space<vmem>>)
    %scan3A_20 = arith.constant 0 : i32
    %scan3A_21 = arith.constant 0 : i32
    %scan3A_22 = arith.constant 128 : i32
    %scan3A_23 = arith.addi %scan3A_21, %scan3A_22 : i32
    %scan3A_24 = arith.constant 1 : i32
    scf.for %scan3A_34 = %scan3A_21 to %scan3A_23 step %scan3A_24  : i32 {
      %mul3A_35 = arith.constant 256 : i32
      %mul3A_36 = arith.muli %scan3A_34, %mul3A_35 : i32
      %add3A_37 = arith.constant 0 : i32
      %add3A_38 = arith.addi %mul3A_36, %add3A_37 : i32
      %get3A = arith.index_cast %add3A_38 : i32 to index
      %get3A_39 = tpu.vector_load %arg5[%get3A] {strides = array<i32>} : memref<32768xi32, #tpu.memory_space<vmem>>, vector<16xi32>,
      %shift_left3A_40 = arith.constant 4 : i32
      %shift_left3A_41 = vector.broadcast %shift_left3A_40 : i32 to vector<16xi32>
      %shift_left3A_42 = arith.shli %get3A_39, %shift_left3A_41 : vector<16xi32>
      %or3A = arith.ori %shift_left3A_42, %iota3A : vector<16xi32>
      %add3A_43 = arith.constant 16 : i32
      %add3A_44 = arith.addi %mul3A_36, %add3A_43 : i32
      %get3A_45 = arith.index_cast %add3A_44 : i32 to index
      %get3A_46 = tpu.vector_load %arg5[%get3A_45] {strides = array<i32>} : memref<32768xi32, #tpu.memory_space<vmem>>, vector<16xi32>,
      %shift_left3A_47 = arith.constant 4 : i32
      %shift_left3A_48 = vector.broadcast %shift_left3A_47 : i32 to vector<16xi32>
      %shift_left3A_49 = arith.shli %get3A_46, %shift_left3A_48 : vector<16xi32>
      %or3A_50 = arith.ori %shift_left3A_49, %iota3A : vector<16xi32>
      %add3A_51 = arith.constant 32 : i32
      %add3A_52 = arith.addi %mul3A_36, %add3A_51 : i32
      %get3A_53 = arith.index_cast %add3A_52 : i32 to index
      %get3A_54 = tpu.vector_load %arg5[%get3A_53] {strides = array<i32>} : memref<32768xi32, #tpu.memory_space<vmem>>, vector<16xi32>,
      %shift_left3A_55 = arith.constant 4 : i32
      %shift_left3A_56 = vector.broadcast %shift_left3A_55 : i32 to vector<16xi32>
      %shift_left3A_57 = arith.shli %get3A_54, %shift_left3A_56 : vector<16xi32>
      %or3A_58 = arith.ori %shift_left3A_57, %iota3A : vector<16xi32>
      %add3A_59 = arith.constant 48 : i32
      %add3A_60 = arith.addi %mul3A_36, %add3A_59 : i32
      %get3A_61 = arith.index_cast %add3A_60 : i32 to index
      %get3A_62 = tpu.vector_load %arg5[%get3A_61] {strides = array<i32>} : memref<32768xi32, #tpu.memory_space<vmem>>, vector<16xi32>,
      %shift_left3A_63 = arith.constant 4 : i32
      %shift_left3A_64 = vector.broadcast %shift_left3A_63 : i32 to vector<16xi32>
      %shift_left3A_65 = arith.shli %get3A_62, %shift_left3A_64 : vector<16xi32>
      %or3A_66 = arith.ori %shift_left3A_65, %iota3A : vector<16xi32>
      %add3A_67 = arith.constant 64 : i32
      %add3A_68 = arith.addi %mul3A_36, %add3A_67 : i32
      %get3A_69 = arith.index_cast %add3A_68 : i32 to index
      %get3A_70 = tpu.vector_load %arg5[%get3A_69] {strides = array<i32>} : memref<32768xi32, #tpu.memory_space<vmem>>, vector<16xi32>,
      %shift_left3A_71 = arith.constant 4 : i32
      %shift_left3A_72 = vector.broadcast %shift_left3A_71 : i32 to vector<16xi32>
      %shift_left3A_73 = arith.shli %get3A_70, %shift_left3A_72 : vector<16xi32>
      %or3A_74 = arith.ori %shift_left3A_73, %iota3A : vector<16xi32>
      %add3A_75 = arith.constant 80 : i32
      %add3A_76 = arith.addi %mul3A_36, %add3A_75 : i32
      %get3A_77 = arith.index_cast %add3A_76 : i32 to index
      %get3A_78 = tpu.vector_load %arg5[%get3A_77] {strides = array<i32>} : memref<32768xi32, #tpu.memory_space<vmem>>, vector<16xi32>,
      %shift_left3A_79 = arith.constant 4 : i32
      %shift_left3A_80 = vector.broadcast %shift_left3A_79 : i32 to vector<16xi32>
      %shift_left3A_81 = arith.shli %get3A_78, %shift_left3A_80 : vector<16xi32>
      %or3A_82 = arith.ori %shift_left3A_81, %iota3A : vector<16xi32>
      %add3A_83 = arith.constant 96 : i32
      %add3A_84 = arith.addi %mul3A_36, %add3A_83 : i32
      %get3A_85 = arith.index_cast %add3A_84 : i32 to index
      %get3A_86 = tpu.vector_load %arg5[%get3A_85] {strides = array<i32>} : memref<32768xi32, #tpu.memory_space<vmem>>, vector<16xi32>,
      %shift_left3A_87 = arith.constant 4 : i32
      %shift_left3A_88 = vector.broadcast %shift_left3A_87 : i32 to vector<16xi32>
      %shift_left3A_89 = arith.shli %get3A_86, %shift_left3A_88 : vector<16xi32>
      %or3A_90 = arith.ori %shift_left3A_89, %iota3A : vector<16xi32>
      %add3A_91 = arith.constant 112 : i32
      %add3A_92 = arith.addi %mul3A_36, %add3A_91 : i32
      %get3A_93 = arith.index_cast %add3A_92 : i32 to index
      %get3A_94 = tpu.vector_load %arg5[%get3A_93] {strides = array<i32>} : memref<32768xi32, #tpu.memory_space<vmem>>, vector<16xi32>,
      %shift_left3A_95 = arith.constant 4 : i32
      %shift_left3A_96 = vector.broadcast %shift_left3A_95 : i32 to vector<16xi32>
      %shift_left3A_97 = arith.shli %get3A_94, %shift_left3A_96 : vector<16xi32>
      %or3A_98 = arith.ori %shift_left3A_97, %iota3A : vector<16xi32>
      %add3A_99 = arith.constant 128 : i32
      %add3A_100 = arith.addi %mul3A_36, %add3A_99 : i32
      %get3A_101 = arith.index_cast %add3A_100 : i32 to index
      %get3A_102 = tpu.vector_load %arg5[%get3A_101] {strides = array<i32>} : memref<32768xi32, #tpu.memory_space<vmem>>, vector<16xi32>,
      %shift_left3A_103 = arith.constant 4 : i32
      %shift_left3A_104 = vector.broadcast %shift_left3A_103 : i32 to vector<16xi32>
      %shift_left3A_105 = arith.shli %get3A_102, %shift_left3A_104 : vector<16xi32>
      %or3A_106 = arith.ori %shift_left3A_105, %iota3A : vector<16xi32>
      %add3A_107 = arith.constant 144 : i32
      %add3A_108 = arith.addi %mul3A_36, %add3A_107 : i32
      %get3A_109 = arith.index_cast %add3A_108 : i32 to index
      %get3A_110 = tpu.vector_load %arg5[%get3A_109] {strides = array<i32>} : memref<32768xi32, #tpu.memory_space<vmem>>, vector<16xi32>,
      %shift_left3A_111 = arith.constant 4 : i32
      %shift_left3A_112 = vector.broadcast %shift_left3A_111 : i32 to vector<16xi32>
      %shift_left3A_113 = arith.shli %get3A_110, %shift_left3A_112 : vector<16xi32>
      %or3A_114 = arith.ori %shift_left3A_113, %iota3A : vector<16xi32>
      %add3A_115 = arith.constant 160 : i32
      %add3A_116 = arith.addi %mul3A_36, %add3A_115 : i32
      %get3A_117 = arith.index_cast %add3A_116 : i32 to index
      %get3A_118 = tpu.vector_load %arg5[%get3A_117] {strides = array<i32>} : memref<32768xi32, #tpu.memory_space<vmem>>, vector<16xi32>,
      %shift_left3A_119 = arith.constant 4 : i32
      %shift_left3A_120 = vector.broadcast %shift_left3A_119 : i32 to vector<16xi32>
      %shift_left3A_121 = arith.shli %get3A_118, %shift_left3A_120 : vector<16xi32>
      %or3A_122 = arith.ori %shift_left3A_121, %iota3A : vector<16xi32>
      %add3A_123 = arith.constant 176 : i32
      %add3A_124 = arith.addi %mul3A_36, %add3A_123 : i32
      %get3A_125 = arith.index_cast %add3A_124 : i32 to index
      %get3A_126 = tpu.vector_load %arg5[%get3A_125] {strides = array<i32>} : memref<32768xi32, #tpu.memory_space<vmem>>, vector<16xi32>,
      %shift_left3A_127 = arith.constant 4 : i32
      %shift_left3A_128 = vector.broadcast %shift_left3A_127 : i32 to vector<16xi32>
      %shift_left3A_129 = arith.shli %get3A_126, %shift_left3A_128 : vector<16xi32>
      %or3A_130 = arith.ori %shift_left3A_129, %iota3A : vector<16xi32>
      %add3A_131 = arith.constant 192 : i32
      %add3A_132 = arith.addi %mul3A_36, %add3A_131 : i32
      %get3A_133 = arith.index_cast %add3A_132 : i32 to index
      %get3A_134 = tpu.vector_load %arg5[%get3A_133] {strides = array<i32>} : memref<32768xi32, #tpu.memory_space<vmem>>, vector<16xi32>,
      %shift_left3A_135 = arith.constant 4 : i32
      %shift_left3A_136 = vector.broadcast %shift_left3A_135 : i32 to vector<16xi32>
      %shift_left3A_137 = arith.shli %get3A_134, %shift_left3A_136 : vector<16xi32>
      %or3A_138 = arith.ori %shift_left3A_137, %iota3A : vector<16xi32>
      %add3A_139 = arith.constant 208 : i32
      %add3A_140 = arith.addi %mul3A_36, %add3A_139 : i32
      %get3A_141 = arith.index_cast %add3A_140 : i32 to index
      %get3A_142 = tpu.vector_load %arg5[%get3A_141] {strides = array<i32>} : memref<32768xi32, #tpu.memory_space<vmem>>, vector<16xi32>,
      %shift_left3A_143 = arith.constant 4 : i32
      %shift_left3A_144 = vector.broadcast %shift_left3A_143 : i32 to vector<16xi32>
      %shift_left3A_145 = arith.shli %get3A_142, %shift_left3A_144 : vector<16xi32>
      %or3A_146 = arith.ori %shift_left3A_145, %iota3A : vector<16xi32>
      %add3A_147 = arith.constant 224 : i32
      %add3A_148 = arith.addi %mul3A_36, %add3A_147 : i32
      %get3A_149 = arith.index_cast %add3A_148 : i32 to index
      %get3A_150 = tpu.vector_load %arg5[%get3A_149] {strides = array<i32>} : memref<32768xi32, #tpu.memory_space<vmem>>, vector<16xi32>,
      %shift_left3A_151 = arith.constant 4 : i32
      %shift_left3A_152 = vector.broadcast %shift_left3A_151 : i32 to vector<16xi32>
      %shift_left3A_153 = arith.shli %get3A_150, %shift_left3A_152 : vector<16xi32>
      %or3A_154 = arith.ori %shift_left3A_153, %iota3A : vector<16xi32>
      %add3A_155 = arith.constant 240 : i32
      %add3A_156 = arith.addi %mul3A_36, %add3A_155 : i32
      %get3A_157 = arith.index_cast %add3A_156 : i32 to index
      %get3A_158 = tpu.vector_load %arg5[%get3A_157] {strides = array<i32>} : memref<32768xi32, #tpu.memory_space<vmem>>, vector<16xi32>,
      %shift_left3A_159 = arith.constant 4 : i32
      %shift_left3A_160 = vector.broadcast %shift_left3A_159 : i32 to vector<16xi32>
      %shift_left3A_161 = arith.shli %get3A_158, %shift_left3A_160 : vector<16xi32>
      %or3A_162 = arith.ori %shift_left3A_161, %iota3A : vector<16xi32>
      %add3A_163 = arith.constant 0 : i32
      %add3A_164 = arith.addi %mul3A_36, %add3A_163 : i32
      %get3A_165 = arith.index_cast %add3A_164 : i32 to index
      %get3A_166 = tpu.vector_load %arg6[%get3A_165] {strides = array<i32>} : memref<32768xi32, #tpu.memory_space<vmem>>, vector<16xi32>,
      %shift_left3A_167 = arith.constant 4 : i32
      %shift_left3A_168 = vector.broadcast %shift_left3A_167 : i32 to vector<16xi32>
      %shift_left3A_169 = arith.shli %get3A_166, %shift_left3A_168 : vector<16xi32>
      %add3A_170 = arith.addi %shift_left3A_169, %add3A_16 : vector<16xi32>
      %add3A_171 = arith.constant 16 : i32
      %add3A_172 = arith.addi %mul3A_36, %add3A_171 : i32
      %get3A_173 = arith.index_cast %add3A_172 : i32 to index
      %get3A_174 = tpu.vector_load %arg6[%get3A_173] {strides = array<i32>} : memref<32768xi32, #tpu.memory_space<vmem>>, vector<16xi32>,
      %shift_left3A_175 = arith.constant 4 : i32
      %shift_left3A_176 = vector.broadcast %shift_left3A_175 : i32 to vector<16xi32>
      %shift_left3A_177 = arith.shli %get3A_174, %shift_left3A_176 : vector<16xi32>
      %add3A_178 = arith.addi %shift_left3A_177, %add3A_16 : vector<16xi32>
      %add3A_179 = arith.constant 32 : i32
      %add3A_180 = arith.addi %mul3A_36, %add3A_179 : i32
      %get3A_181 = arith.index_cast %add3A_180 : i32 to index
      %get3A_182 = tpu.vector_load %arg6[%get3A_181] {strides = array<i32>} : memref<32768xi32, #tpu.memory_space<vmem>>, vector<16xi32>,
      %shift_left3A_183 = arith.constant 4 : i32
      %shift_left3A_184 = vector.broadcast %shift_left3A_183 : i32 to vector<16xi32>
      %shift_left3A_185 = arith.shli %get3A_182, %shift_left3A_184 : vector<16xi32>
      %add3A_186 = arith.addi %shift_left3A_185, %add3A_16 : vector<16xi32>
      %add3A_187 = arith.constant 48 : i32
      %add3A_188 = arith.addi %mul3A_36, %add3A_187 : i32
      %get3A_189 = arith.index_cast %add3A_188 : i32 to index
      %get3A_190 = tpu.vector_load %arg6[%get3A_189] {strides = array<i32>} : memref<32768xi32, #tpu.memory_space<vmem>>, vector<16xi32>,
      %shift_left3A_191 = arith.constant 4 : i32
      %shift_left3A_192 = vector.broadcast %shift_left3A_191 : i32 to vector<16xi32>
      %shift_left3A_193 = arith.shli %get3A_190, %shift_left3A_192 : vector<16xi32>
      %add3A_194 = arith.addi %shift_left3A_193, %add3A_16 : vector<16xi32>
      %add3A_195 = arith.constant 64 : i32
      %add3A_196 = arith.addi %mul3A_36, %add3A_195 : i32
      %get3A_197 = arith.index_cast %add3A_196 : i32 to index
      %get3A_198 = tpu.vector_load %arg6[%get3A_197] {strides = array<i32>} : memref<32768xi32, #tpu.memory_space<vmem>>, vector<16xi32>,
      %shift_left3A_199 = arith.constant 4 : i32
      %shift_left3A_200 = vector.broadcast %shift_left3A_199 : i32 to vector<16xi32>
      %shift_left3A_201 = arith.shli %get3A_198, %shift_left3A_200 : vector<16xi32>
      %add3A_202 = arith.addi %shift_left3A_201, %add3A_16 : vector<16xi32>
      %add3A_203 = arith.constant 80 : i32
      %add3A_204 = arith.addi %mul3A_36, %add3A_203 : i32
      %get3A_205 = arith.index_cast %add3A_204 : i32 to index
      %get3A_206 = tpu.vector_load %arg6[%get3A_205] {strides = array<i32>} : memref<32768xi32, #tpu.memory_space<vmem>>, vector<16xi32>,
      %shift_left3A_207 = arith.constant 4 : i32
      %shift_left3A_208 = vector.broadcast %shift_left3A_207 : i32 to vector<16xi32>
      %shift_left3A_209 = arith.shli %get3A_206, %shift_left3A_208 : vector<16xi32>
      %add3A_210 = arith.addi %shift_left3A_209, %add3A_16 : vector<16xi32>
      %add3A_211 = arith.constant 96 : i32
      %add3A_212 = arith.addi %mul3A_36, %add3A_211 : i32
      %get3A_213 = arith.index_cast %add3A_212 : i32 to index
      %get3A_214 = tpu.vector_load %arg6[%get3A_213] {strides = array<i32>} : memref<32768xi32, #tpu.memory_space<vmem>>, vector<16xi32>,
      %shift_left3A_215 = arith.constant 4 : i32
      %shift_left3A_216 = vector.broadcast %shift_left3A_215 : i32 to vector<16xi32>
      %shift_left3A_217 = arith.shli %get3A_214, %shift_left3A_216 : vector<16xi32>
      %add3A_218 = arith.addi %shift_left3A_217, %add3A_16 : vector<16xi32>
      %add3A_219 = arith.constant 112 : i32
      %add3A_220 = arith.addi %mul3A_36, %add3A_219 : i32
      %get3A_221 = arith.index_cast %add3A_220 : i32 to index
      %get3A_222 = tpu.vector_load %arg6[%get3A_221] {strides = array<i32>} : memref<32768xi32, #tpu.memory_space<vmem>>, vector<16xi32>,
      %shift_left3A_223 = arith.constant 4 : i32
      %shift_left3A_224 = vector.broadcast %shift_left3A_223 : i32 to vector<16xi32>
      %shift_left3A_225 = arith.shli %get3A_222, %shift_left3A_224 : vector<16xi32>
      %add3A_226 = arith.addi %shift_left3A_225, %add3A_16 : vector<16xi32>
      %add3A_227 = arith.constant 128 : i32
      %add3A_228 = arith.addi %mul3A_36, %add3A_227 : i32
      %get3A_229 = arith.index_cast %add3A_228 : i32 to index
      %get3A_230 = tpu.vector_load %arg6[%get3A_229] {strides = array<i32>} : memref<32768xi32, #tpu.memory_space<vmem>>, vector<16xi32>,
      %shift_left3A_231 = arith.constant 4 : i32
      %shift_left3A_232 = vector.broadcast %shift_left3A_231 : i32 to vector<16xi32>
      %shift_left3A_233 = arith.shli %get3A_230, %shift_left3A_232 : vector<16xi32>
      %add3A_234 = arith.addi %shift_left3A_233, %add3A_16 : vector<16xi32>
      %add3A_235 = arith.constant 144 : i32
      %add3A_236 = arith.addi %mul3A_36, %add3A_235 : i32
      %get3A_237 = arith.index_cast %add3A_236 : i32 to index
      %get3A_238 = tpu.vector_load %arg6[%get3A_237] {strides = array<i32>} : memref<32768xi32, #tpu.memory_space<vmem>>, vector<16xi32>,
      %shift_left3A_239 = arith.constant 4 : i32
      %shift_left3A_240 = vector.broadcast %shift_left3A_239 : i32 to vector<16xi32>
      %shift_left3A_241 = arith.shli %get3A_238, %shift_left3A_240 : vector<16xi32>
      %add3A_242 = arith.addi %shift_left3A_241, %add3A_16 : vector<16xi32>
      %add3A_243 = arith.constant 160 : i32
      %add3A_244 = arith.addi %mul3A_36, %add3A_243 : i32
      %get3A_245 = arith.index_cast %add3A_244 : i32 to index
      %get3A_246 = tpu.vector_load %arg6[%get3A_245] {strides = array<i32>} : memref<32768xi32, #tpu.memory_space<vmem>>, vector<16xi32>,
      %shift_left3A_247 = arith.constant 4 : i32
      %shift_left3A_248 = vector.broadcast %shift_left3A_247 : i32 to vector<16xi32>
      %shift_left3A_249 = arith.shli %get3A_246, %shift_left3A_248 : vector<16xi32>
      %add3A_250 = arith.addi %shift_left3A_249, %add3A_16 : vector<16xi32>
      %add3A_251 = arith.constant 176 : i32
      %add3A_252 = arith.addi %mul3A_36, %add3A_251 : i32
      %get3A_253 = arith.index_cast %add3A_252 : i32 to index
      %get3A_254 = tpu.vector_load %arg6[%get3A_253] {strides = array<i32>} : memref<32768xi32, #tpu.memory_space<vmem>>, vector<16xi32>,
      %shift_left3A_255 = arith.constant 4 : i32
      %shift_left3A_256 = vector.broadcast %shift_left3A_255 : i32 to vector<16xi32>
      %shift_left3A_257 = arith.shli %get3A_254, %shift_left3A_256 : vector<16xi32>
      %add3A_258 = arith.addi %shift_left3A_257, %add3A_16 : vector<16xi32>
      %add3A_259 = arith.constant 192 : i32
      %add3A_260 = arith.addi %mul3A_36, %add3A_259 : i32
      %get3A_261 = arith.index_cast %add3A_260 : i32 to index
      %get3A_262 = tpu.vector_load %arg6[%get3A_261] {strides = array<i32>} : memref<32768xi32, #tpu.memory_space<vmem>>, vector<16xi32>,
      %shift_left3A_263 = arith.constant 4 : i32
      %shift_left3A_264 = vector.broadcast %shift_left3A_263 : i32 to vector<16xi32>
      %shift_left3A_265 = arith.shli %get3A_262, %shift_left3A_264 : vector<16xi32>
      %add3A_266 = arith.addi %shift_left3A_265, %add3A_16 : vector<16xi32>
      %add3A_267 = arith.constant 208 : i32
      %add3A_268 = arith.addi %mul3A_36, %add3A_267 : i32
      %get3A_269 = arith.index_cast %add3A_268 : i32 to index
      %get3A_270 = tpu.vector_load %arg6[%get3A_269] {strides = array<i32>} : memref<32768xi32, #tpu.memory_space<vmem>>, vector<16xi32>,
      %shift_left3A_271 = arith.constant 4 : i32
      %shift_left3A_272 = vector.broadcast %shift_left3A_271 : i32 to vector<16xi32>
      %shift_left3A_273 = arith.shli %get3A_270, %shift_left3A_272 : vector<16xi32>
      %add3A_274 = arith.addi %shift_left3A_273, %add3A_16 : vector<16xi32>
      %add3A_275 = arith.constant 224 : i32
      %add3A_276 = arith.addi %mul3A_36, %add3A_275 : i32
      %get3A_277 = arith.index_cast %add3A_276 : i32 to index
      %get3A_278 = tpu.vector_load %arg6[%get3A_277] {strides = array<i32>} : memref<32768xi32, #tpu.memory_space<vmem>>, vector<16xi32>,
      %shift_left3A_279 = arith.constant 4 : i32
      %shift_left3A_280 = vector.broadcast %shift_left3A_279 : i32 to vector<16xi32>
      %shift_left3A_281 = arith.shli %get3A_278, %shift_left3A_280 : vector<16xi32>
      %add3A_282 = arith.addi %shift_left3A_281, %add3A_16 : vector<16xi32>
      %add3A_283 = arith.constant 240 : i32
      %add3A_284 = arith.addi %mul3A_36, %add3A_283 : i32
      %get3A_285 = arith.index_cast %add3A_284 : i32 to index
      %get3A_286 = tpu.vector_load %arg6[%get3A_285] {strides = array<i32>} : memref<32768xi32, #tpu.memory_space<vmem>>, vector<16xi32>,
      %shift_left3A_287 = arith.constant 4 : i32
      %shift_left3A_288 = vector.broadcast %shift_left3A_287 : i32 to vector<16xi32>
      %shift_left3A_289 = arith.shli %get3A_286, %shift_left3A_288 : vector<16xi32>
      %add3A_290 = arith.addi %shift_left3A_289, %add3A_16 : vector<16xi32>
      tpu.vector_store_idx %arg7[%or3A], %broadcast_in_dim3A_13 {add = true} : memref<4096xf32, #tpu.memory_space<vmem>>[vector<16xi32>], vector<16xf32>,
      tpu.vector_store_idx %arg7[%or3A_50], %broadcast_in_dim3A_13 {add = true} : memref<4096xf32, #tpu.memory_space<vmem>>[vector<16xi32>], vector<16xf32>,
      tpu.vector_store_idx %arg7[%or3A_58], %broadcast_in_dim3A_13 {add = true} : memref<4096xf32, #tpu.memory_space<vmem>>[vector<16xi32>], vector<16xf32>,
      tpu.vector_store_idx %arg7[%or3A_66], %broadcast_in_dim3A_13 {add = true} : memref<4096xf32, #tpu.memory_space<vmem>>[vector<16xi32>], vector<16xf32>,
      tpu.vector_store_idx %arg7[%or3A_74], %broadcast_in_dim3A_13 {add = true} : memref<4096xf32, #tpu.memory_space<vmem>>[vector<16xi32>], vector<16xf32>,
      tpu.vector_store_idx %arg7[%or3A_82], %broadcast_in_dim3A_13 {add = true} : memref<4096xf32, #tpu.memory_space<vmem>>[vector<16xi32>], vector<16xf32>,
      tpu.vector_store_idx %arg7[%or3A_90], %broadcast_in_dim3A_13 {add = true} : memref<4096xf32, #tpu.memory_space<vmem>>[vector<16xi32>], vector<16xf32>,
      tpu.vector_store_idx %arg7[%or3A_98], %broadcast_in_dim3A_13 {add = true} : memref<4096xf32, #tpu.memory_space<vmem>>[vector<16xi32>], vector<16xf32>,
      tpu.vector_store_idx %arg7[%or3A_106], %broadcast_in_dim3A_13 {add = true} : memref<4096xf32, #tpu.memory_space<vmem>>[vector<16xi32>], vector<16xf32>,
      tpu.vector_store_idx %arg7[%or3A_114], %broadcast_in_dim3A_13 {add = true} : memref<4096xf32, #tpu.memory_space<vmem>>[vector<16xi32>], vector<16xf32>,
      tpu.vector_store_idx %arg7[%or3A_122], %broadcast_in_dim3A_13 {add = true} : memref<4096xf32, #tpu.memory_space<vmem>>[vector<16xi32>], vector<16xf32>,
      tpu.vector_store_idx %arg7[%or3A_130], %broadcast_in_dim3A_13 {add = true} : memref<4096xf32, #tpu.memory_space<vmem>>[vector<16xi32>], vector<16xf32>,
      tpu.vector_store_idx %arg7[%or3A_138], %broadcast_in_dim3A_13 {add = true} : memref<4096xf32, #tpu.memory_space<vmem>>[vector<16xi32>], vector<16xf32>,
      tpu.vector_store_idx %arg7[%or3A_146], %broadcast_in_dim3A_13 {add = true} : memref<4096xf32, #tpu.memory_space<vmem>>[vector<16xi32>], vector<16xf32>,
      tpu.vector_store_idx %arg7[%or3A_154], %broadcast_in_dim3A_13 {add = true} : memref<4096xf32, #tpu.memory_space<vmem>>[vector<16xi32>], vector<16xf32>,
      tpu.vector_store_idx %arg7[%or3A_162], %broadcast_in_dim3A_13 {add = true} : memref<4096xf32, #tpu.memory_space<vmem>>[vector<16xi32>], vector<16xf32>,
      tpu.vector_store_idx %arg7[%add3A_170], %broadcast_in_dim3A_13 {add = true} : memref<4096xf32, #tpu.memory_space<vmem>>[vector<16xi32>], vector<16xf32>,
      tpu.vector_store_idx %arg7[%add3A_178], %broadcast_in_dim3A_13 {add = true} : memref<4096xf32, #tpu.memory_space<vmem>>[vector<16xi32>], vector<16xf32>,
      tpu.vector_store_idx %arg7[%add3A_186], %broadcast_in_dim3A_13 {add = true} : memref<4096xf32, #tpu.memory_space<vmem>>[vector<16xi32>], vector<16xf32>,
      tpu.vector_store_idx %arg7[%add3A_194], %broadcast_in_dim3A_13 {add = true} : memref<4096xf32, #tpu.memory_space<vmem>>[vector<16xi32>], vector<16xf32>,
      tpu.vector_store_idx %arg7[%add3A_202], %broadcast_in_dim3A_13 {add = true} : memref<4096xf32, #tpu.memory_space<vmem>>[vector<16xi32>], vector<16xf32>,
      tpu.vector_store_idx %arg7[%add3A_210], %broadcast_in_dim3A_13 {add = true} : memref<4096xf32, #tpu.memory_space<vmem>>[vector<16xi32>], vector<16xf32>,
      tpu.vector_store_idx %arg7[%add3A_218], %broadcast_in_dim3A_13 {add = true} : memref<4096xf32, #tpu.memory_space<vmem>>[vector<16xi32>], vector<16xf32>,
      tpu.vector_store_idx %arg7[%add3A_226], %broadcast_in_dim3A_13 {add = true} : memref<4096xf32, #tpu.memory_space<vmem>>[vector<16xi32>], vector<16xf32>,
      tpu.vector_store_idx %arg7[%add3A_234], %broadcast_in_dim3A_13 {add = true} : memref<4096xf32, #tpu.memory_space<vmem>>[vector<16xi32>], vector<16xf32>,
      tpu.vector_store_idx %arg7[%add3A_242], %broadcast_in_dim3A_13 {add = true} : memref<4096xf32, #tpu.memory_space<vmem>>[vector<16xi32>], vector<16xf32>,
      tpu.vector_store_idx %arg7[%add3A_250], %broadcast_in_dim3A_13 {add = true} : memref<4096xf32, #tpu.memory_space<vmem>>[vector<16xi32>], vector<16xf32>,
      tpu.vector_store_idx %arg7[%add3A_258], %broadcast_in_dim3A_13 {add = true} : memref<4096xf32, #tpu.memory_space<vmem>>[vector<16xi32>], vector<16xf32>,
      tpu.vector_store_idx %arg7[%add3A_266], %broadcast_in_dim3A_13 {add = true} : memref<4096xf32, #tpu.memory_space<vmem>>[vector<16xi32>], vector<16xf32>,
      tpu.vector_store_idx %arg7[%add3A_274], %broadcast_in_dim3A_13 {add = true} : memref<4096xf32, #tpu.memory_space<vmem>>[vector<16xi32>], vector<16xf32>,
      tpu.vector_store_idx %arg7[%add3A_282], %broadcast_in_dim3A_13 {add = true} : memref<4096xf32, #tpu.memory_space<vmem>>[vector<16xi32>], vector<16xf32>,
      tpu.vector_store_idx %arg7[%add3A_290], %broadcast_in_dim3A_13 {add = true} : memref<4096xf32, #tpu.memory_space<vmem>>[vector<16xi32>], vector<16xf32>,
    }
    %scan3A_25 = arith.constant 128 : i32
    %shift_left3A = arith.constant 4 : i32
    %shift_left3A_26 = vector.broadcast %shift_left3A : i32 to vector<16xi32>
    %shift_left3A_27 = arith.shli %iota3A, %shift_left3A_26 : vector<16xi32>
    %scan3A_28 = arith.constant 0 : i32
    %scan3A_29 = arith.constant 0 : i32
    %scan3A_30 = arith.constant 16 : i32
    %scan3A_31 = arith.addi %scan3A_29, %scan3A_30 : i32
    %scan3A_32 = arith.constant 1 : i32
    scf.for %scan3A_34 = %scan3A_29 to %scan3A_31 step %scan3A_32  : i32 {
      %mul3A_35 = arith.constant 256 : i32
      %mul3A_36 = arith.muli %scan3A_34, %mul3A_35 : i32
      %broadcast_in_dim3A_37 = arith.constant 0.000000e+00 : f32
      %broadcast_in_dim3A_38 = vector.broadcast %broadcast_in_dim3A_37 : f32 to vector<16xf32>
      %add3A_39 = arith.constant 0 : i32
      %add3A_40 = arith.addi %mul3A_36, %add3A_39 : i32
      %add3A_41 = vector.broadcast %add3A_40 : i32 to vector<16xi32>
      %add3A_42 = arith.addi %shift_left3A_27, %add3A_41 : vector<16xi32>
      %gather3A = tpu.vector_load_idx %arg7[%add3A_42] : memref<4096xf32, #tpu.memory_space<vmem>>[vector<16xi32>], vector<16xf32>,
      %add3A_43 = arith.addf %broadcast_in_dim3A_38, %gather3A : vector<16xf32>
      %add3A_44 = arith.constant 1 : i32
      %add3A_45 = arith.addi %mul3A_36, %add3A_44 : i32
      %add3A_46 = vector.broadcast %add3A_45 : i32 to vector<16xi32>
      %add3A_47 = arith.addi %shift_left3A_27, %add3A_46 : vector<16xi32>
      %gather3A_48 = tpu.vector_load_idx %arg7[%add3A_47] : memref<4096xf32, #tpu.memory_space<vmem>>[vector<16xi32>], vector<16xf32>,
      %add3A_49 = arith.addf %add3A_43, %gather3A_48 : vector<16xf32>
      %add3A_50 = arith.constant 2 : i32
      %add3A_51 = arith.addi %mul3A_36, %add3A_50 : i32
      %add3A_52 = vector.broadcast %add3A_51 : i32 to vector<16xi32>
      %add3A_53 = arith.addi %shift_left3A_27, %add3A_52 : vector<16xi32>
      %gather3A_54 = tpu.vector_load_idx %arg7[%add3A_53] : memref<4096xf32, #tpu.memory_space<vmem>>[vector<16xi32>], vector<16xf32>,
      %add3A_55 = arith.addf %add3A_49, %gather3A_54 : vector<16xf32>
      %add3A_56 = arith.constant 3 : i32
      %add3A_57 = arith.addi %mul3A_36, %add3A_56 : i32
      %add3A_58 = vector.broadcast %add3A_57 : i32 to vector<16xi32>
      %add3A_59 = arith.addi %shift_left3A_27, %add3A_58 : vector<16xi32>
      %gather3A_60 = tpu.vector_load_idx %arg7[%add3A_59] : memref<4096xf32, #tpu.memory_space<vmem>>[vector<16xi32>], vector<16xf32>,
      %add3A_61 = arith.addf %add3A_55, %gather3A_60 : vector<16xf32>
      %add3A_62 = arith.constant 4 : i32
      %add3A_63 = arith.addi %mul3A_36, %add3A_62 : i32
      %add3A_64 = vector.broadcast %add3A_63 : i32 to vector<16xi32>
      %add3A_65 = arith.addi %shift_left3A_27, %add3A_64 : vector<16xi32>
      %gather3A_66 = tpu.vector_load_idx %arg7[%add3A_65] : memref<4096xf32, #tpu.memory_space<vmem>>[vector<16xi32>], vector<16xf32>,
      %add3A_67 = arith.addf %add3A_61, %gather3A_66 : vector<16xf32>
      %add3A_68 = arith.constant 5 : i32
      %add3A_69 = arith.addi %mul3A_36, %add3A_68 : i32
      %add3A_70 = vector.broadcast %add3A_69 : i32 to vector<16xi32>
      %add3A_71 = arith.addi %shift_left3A_27, %add3A_70 : vector<16xi32>
      %gather3A_72 = tpu.vector_load_idx %arg7[%add3A_71] : memref<4096xf32, #tpu.memory_space<vmem>>[vector<16xi32>], vector<16xf32>,
      %add3A_73 = arith.addf %add3A_67, %gather3A_72 : vector<16xf32>
      %add3A_74 = arith.constant 6 : i32
      %add3A_75 = arith.addi %mul3A_36, %add3A_74 : i32
      %add3A_76 = vector.broadcast %add3A_75 : i32 to vector<16xi32>
      %add3A_77 = arith.addi %shift_left3A_27, %add3A_76 : vector<16xi32>
      %gather3A_78 = tpu.vector_load_idx %arg7[%add3A_77] : memref<4096xf32, #tpu.memory_space<vmem>>[vector<16xi32>], vector<16xf32>,
      %add3A_79 = arith.addf %add3A_73, %gather3A_78 : vector<16xf32>
      %add3A_80 = arith.constant 7 : i32
      %add3A_81 = arith.addi %mul3A_36, %add3A_80 : i32
      %add3A_82 = vector.broadcast %add3A_81 : i32 to vector<16xi32>
      %add3A_83 = arith.addi %shift_left3A_27, %add3A_82 : vector<16xi32>
      %gather3A_84 = tpu.vector_load_idx %arg7[%add3A_83] : memref<4096xf32, #tpu.memory_space<vmem>>[vector<16xi32>], vector<16xf32>,
      %add3A_85 = arith.addf %add3A_79, %gather3A_84 : vector<16xf32>
      %add3A_86 = arith.constant 8 : i32
      %add3A_87 = arith.addi %mul3A_36, %add3A_86 : i32
      %add3A_88 = vector.broadcast %add3A_87 : i32 to vector<16xi32>
      %add3A_89 = arith.addi %shift_left3A_27, %add3A_88 : vector<16xi32>
      %gather3A_90 = tpu.vector_load_idx %arg7[%add3A_89] : memref<4096xf32, #tpu.memory_space<vmem>>[vector<16xi32>], vector<16xf32>,
      %add3A_91 = arith.addf %add3A_85, %gather3A_90 : vector<16xf32>
      %add3A_92 = arith.constant 9 : i32
      %add3A_93 = arith.addi %mul3A_36, %add3A_92 : i32
      %add3A_94 = vector.broadcast %add3A_93 : i32 to vector<16xi32>
      %add3A_95 = arith.addi %shift_left3A_27, %add3A_94 : vector<16xi32>
      %gather3A_96 = tpu.vector_load_idx %arg7[%add3A_95] : memref<4096xf32, #tpu.memory_space<vmem>>[vector<16xi32>], vector<16xf32>,
      %add3A_97 = arith.addf %add3A_91, %gather3A_96 : vector<16xf32>
      %add3A_98 = arith.constant 10 : i32
      %add3A_99 = arith.addi %mul3A_36, %add3A_98 : i32
      %add3A_100 = vector.broadcast %add3A_99 : i32 to vector<16xi32>
      %add3A_101 = arith.addi %shift_left3A_27, %add3A_100 : vector<16xi32>
      %gather3A_102 = tpu.vector_load_idx %arg7[%add3A_101] : memref<4096xf32, #tpu.memory_space<vmem>>[vector<16xi32>], vector<16xf32>,
      %add3A_103 = arith.addf %add3A_97, %gather3A_102 : vector<16xf32>
      %add3A_104 = arith.constant 11 : i32
      %add3A_105 = arith.addi %mul3A_36, %add3A_104 : i32
      %add3A_106 = vector.broadcast %add3A_105 : i32 to vector<16xi32>
      %add3A_107 = arith.addi %shift_left3A_27, %add3A_106 : vector<16xi32>
      %gather3A_108 = tpu.vector_load_idx %arg7[%add3A_107] : memref<4096xf32, #tpu.memory_space<vmem>>[vector<16xi32>], vector<16xf32>,
      %add3A_109 = arith.addf %add3A_103, %gather3A_108 : vector<16xf32>
      %add3A_110 = arith.constant 12 : i32
      %add3A_111 = arith.addi %mul3A_36, %add3A_110 : i32
      %add3A_112 = vector.broadcast %add3A_111 : i32 to vector<16xi32>
      %add3A_113 = arith.addi %shift_left3A_27, %add3A_112 : vector<16xi32>
      %gather3A_114 = tpu.vector_load_idx %arg7[%add3A_113] : memref<4096xf32, #tpu.memory_space<vmem>>[vector<16xi32>], vector<16xf32>,
      %add3A_115 = arith.addf %add3A_109, %gather3A_114 : vector<16xf32>
      %add3A_116 = arith.constant 13 : i32
      %add3A_117 = arith.addi %mul3A_36, %add3A_116 : i32
      %add3A_118 = vector.broadcast %add3A_117 : i32 to vector<16xi32>
      %add3A_119 = arith.addi %shift_left3A_27, %add3A_118 : vector<16xi32>
      %gather3A_120 = tpu.vector_load_idx %arg7[%add3A_119] : memref<4096xf32, #tpu.memory_space<vmem>>[vector<16xi32>], vector<16xf32>,
      %add3A_121 = arith.addf %add3A_115, %gather3A_120 : vector<16xf32>
      %add3A_122 = arith.constant 14 : i32
      %add3A_123 = arith.addi %mul3A_36, %add3A_122 : i32
      %add3A_124 = vector.broadcast %add3A_123 : i32 to vector<16xi32>
      %add3A_125 = arith.addi %shift_left3A_27, %add3A_124 : vector<16xi32>
      %gather3A_126 = tpu.vector_load_idx %arg7[%add3A_125] : memref<4096xf32, #tpu.memory_space<vmem>>[vector<16xi32>], vector<16xf32>,
      %add3A_127 = arith.addf %add3A_121, %gather3A_126 : vector<16xf32>
      %add3A_128 = arith.constant 15 : i32
      %add3A_129 = arith.addi %mul3A_36, %add3A_128 : i32
      %add3A_130 = vector.broadcast %add3A_129 : i32 to vector<16xi32>
      %add3A_131 = arith.addi %shift_left3A_27, %add3A_130 : vector<16xi32>
      %gather3A_132 = tpu.vector_load_idx %arg7[%add3A_131] : memref<4096xf32, #tpu.memory_space<vmem>>[vector<16xi32>], vector<16xf32>,
      %add3A_133 = arith.addf %add3A_127, %gather3A_132 : vector<16xf32>
      %mul3A_134 = arith.constant 16 : i32
      %mul3A_135 = arith.muli %scan3A_34, %mul3A_134 : i32
      %swap3A = arith.index_cast %mul3A_135 : i32 to index
      %swap3A_136 = tpu.vector_load %arg8[%swap3A] {strides = array<i32>} : memref<256xf32, #tpu.memory_space<vmem>>, vector<16xf32>,
      tpu.vector_store %arg8[%swap3A], %add3A_133 {strides = array<i32>} : memref<256xf32, #tpu.memory_space<vmem>>, vector<16xf32>,
    }
    %scan3A_33 = arith.constant 16 : i32
    "tpu.region"() ({
      %run_scoped3A = tpu.sem_alloc : memref<!tpu.dma_semaphore, #tpu.memory_space<semaphore_mem>>
      %dma_start3A_34 = arith.constant 0 : i32
      %dma_start3A_35 = tpu.memref_slice %arg4[%add3A, %dma_start3A_34] : memref<32x256xf32, #tpu.memory_space<hbm>> -> memref<1x256xf32, #tpu.memory_space<hbm>>
      %dma_start3A_36 = tpu.memref_squeeze %dma_start3A_35 : memref<1x256xf32, #tpu.memory_space<hbm>> -> memref<256xf32, #tpu.memory_space<hbm>>
      %dma_start3A_37 = arith.constant 0 : i32
      %dma_start3A_38 = tpu.memref_slice %arg4[%add3A, %dma_start3A_37] : memref<32x256xf32, #tpu.memory_space<hbm>> -> memref<1x256xf32, #tpu.memory_space<hbm>>
      %dma_start3A_39 = tpu.memref_squeeze %dma_start3A_38 : memref<1x256xf32, #tpu.memory_space<hbm>> -> memref<256xf32, #tpu.memory_space<hbm>>
      tpu.enqueue_dma source(%arg8 : memref<256xf32, #tpu.memory_space<vmem>>) target(%dma_start3A_39 : memref<256xf32, #tpu.memory_space<hbm>>) target_semaphore(%run_scoped3A : memref<!tpu.dma_semaphore, #tpu.memory_space<semaphore_mem>>)
      %dma_wait3A_40 = arith.constant 0 : i32
      %dma_wait3A_41 = tpu.memref_slice %arg4[%add3A, %dma_wait3A_40] : memref<32x256xf32, #tpu.memory_space<hbm>> -> memref<1x256xf32, #tpu.memory_space<hbm>>
      %dma_wait3A_42 = tpu.memref_squeeze %dma_wait3A_41 : memref<1x256xf32, #tpu.memory_space<hbm>> -> memref<256xf32, #tpu.memory_space<hbm>>
      %dma_wait3A_43 = arith.constant 0 : i32
      %dma_wait3A_44 = tpu.memref_slice %arg4[%add3A, %dma_wait3A_43] : memref<32x256xf32, #tpu.memory_space<hbm>> -> memref<1x256xf32, #tpu.memory_space<hbm>>
      %dma_wait3A_45 = tpu.memref_squeeze %dma_wait3A_44 : memref<1x256xf32, #tpu.memory_space<hbm>> -> memref<256xf32, #tpu.memory_space<hbm>>
      tpu.wait_dma2 semaphore(%run_scoped3A : memref<!tpu.dma_semaphore, #tpu.memory_space<semaphore_mem>>) src(%arg8 : memref<256xf32, #tpu.memory_space<vmem>>) dst(%dma_wait3A_45 : memref<256xf32, #tpu.memory_space<hbm>>)
      tpu.yield
    }) : () -> ()
    return
  }
}

module attributes {stable_mosaic.version = 14 : i64} {
  func.func @_tc_body(%arg0: memref<32x256xf32, #tpu.memory_space<vmem>>, %arg1: memref<4x128xf32, #tpu.memory_space<vmem>>, %arg2: memref<4x128xf32, #tpu.memory_space<vmem>>, %arg3: memref<128x128xf32, #tpu.memory_space<vmem>>, %arg4: memref<128x128xf32, #tpu.memory_space<vmem>>) attributes {dimension_semantics = [], scalar_prefetch = 0 : i64, scratch_operands = 0 : i64, tpu.core_type = #tpu.core_type<tc>} {
    %get3A = arith.constant 0 : index
    %get3A_0 = arith.constant 0 : index
    %get3A_1 = vector.load %arg0[%get3A, %get3A_0] : memref<32x256xf32, #tpu.memory_space<vmem>>, vector<32x256xf32>
    %reduce_sum3A = arith.constant dense<0.000000e+00> : vector<256xf32>
    %reduce_sum3A_2 = vector.multi_reduction <add>, %get3A_1, %reduce_sum3A [0] : vector<32x256xf32> to vector<256xf32>
    %slice3A = vector.extract_strided_slice %reduce_sum3A_2 {offsets = [0], sizes = [128], strides = [1]} : vector<256xf32> to vector<128xf32>
    %slice3A_3 = vector.extract_strided_slice %reduce_sum3A_2 {offsets = [128], sizes = [128], strides = [1]} : vector<256xf32> to vector<128xf32>
    %get3A_4 = arith.constant 0 : index
    %get3A_5 = arith.constant 0 : index
    %get3A_6 = vector.load %arg1[%get3A_4, %get3A_5] : memref<4x128xf32, #tpu.memory_space<vmem>>, vector<4x128xf32>
    %get3A_7 = arith.constant 0 : index
    %get3A_8 = arith.constant 0 : index
    %get3A_9 = vector.load %arg2[%get3A_7, %get3A_8] : memref<4x128xf32, #tpu.memory_space<vmem>>, vector<4x128xf32>
    %get3A_10 = arith.constant 0 : index
    %get3A_11 = arith.constant 0 : index
    %get3A_12 = vector.load %arg3[%get3A_10, %get3A_11] : memref<128x128xf32, #tpu.memory_space<vmem>>, vector<128x128xf32>
    %mul3A = arith.constant -9.99999974E-6 : f32
    %mul3A_13 = vector.broadcast %mul3A : f32 to vector<128x128xf32>
    %mul3A_14 = arith.mulf %mul3A_13, %get3A_12 : vector<128x128xf32>
    %slice3A_15 = vector.extract_strided_slice %get3A_6 {offsets = [0, 0], sizes = [1, 128], strides = [1, 1]} : vector<4x128xf32> to vector<1x128xf32>
    %squeeze3A = vector.shape_cast %slice3A_15 : vector<1x128xf32> to vector<128xf32>
    %mul3A_16 = arith.constant 9.700000e-01 : f32
    %mul3A_17 = vector.broadcast %mul3A_16 : f32 to vector<128xf32>
    %mul3A_18 = arith.mulf %mul3A_17, %squeeze3A : vector<128xf32>
    %add3A = arith.addf %mul3A_18, %slice3A : vector<128xf32>
    %slice3A_19 = vector.extract_strided_slice %get3A_9 {offsets = [0, 0], sizes = [1, 128], strides = [1, 1]} : vector<4x128xf32> to vector<1x128xf32>
    %squeeze3A_20 = vector.shape_cast %slice3A_19 : vector<1x128xf32> to vector<128xf32>
    %mul3A_21 = arith.constant 9.700000e-01 : f32
    %mul3A_22 = vector.broadcast %mul3A_21 : f32 to vector<128xf32>
    %mul3A_23 = arith.mulf %mul3A_22, %squeeze3A_20 : vector<128xf32>
    %add3A_24 = arith.addf %mul3A_23, %slice3A_3 : vector<128xf32>
    %broadcast_in_dim3A = vector.shape_cast %add3A : vector<128xf32> to vector<128x1xf32>
    %broadcast_in_dim3A_25 = vector.broadcast %broadcast_in_dim3A : vector<128x1xf32> to vector<128x128xf32>
    %broadcast_in_dim3A_26 = vector.shape_cast %add3A_24 : vector<128xf32> to vector<1x128xf32>
    %broadcast_in_dim3A_27 = vector.broadcast %broadcast_in_dim3A_26 : vector<1x128xf32> to vector<128x128xf32>
    %mul3A_28 = arith.mulf %broadcast_in_dim3A_25, %broadcast_in_dim3A_27 : vector<128x128xf32>
    %mul3A_29 = arith.constant 2.500000e-01 : f32
    %mul3A_30 = vector.broadcast %mul3A_29 : f32 to vector<128x128xf32>
    %mul3A_31 = arith.mulf %mul3A_30, %mul3A_28 : vector<128x128xf32>
    %add3A_32 = arith.addf %mul3A_14, %mul3A_31 : vector<128x128xf32>
    %slice3A_33 = vector.extract_strided_slice %get3A_6 {offsets = [1, 0], sizes = [1, 128], strides = [1, 1]} : vector<4x128xf32> to vector<1x128xf32>
    %squeeze3A_34 = vector.shape_cast %slice3A_33 : vector<1x128xf32> to vector<128xf32>
    %mul3A_35 = arith.constant 0.949999988 : f32
    %mul3A_36 = vector.broadcast %mul3A_35 : f32 to vector<128xf32>
    %mul3A_37 = arith.mulf %mul3A_36, %squeeze3A_34 : vector<128xf32>
    %add3A_38 = arith.addf %mul3A_37, %slice3A : vector<128xf32>
    %slice3A_39 = vector.extract_strided_slice %get3A_9 {offsets = [1, 0], sizes = [1, 128], strides = [1, 1]} : vector<4x128xf32> to vector<1x128xf32>
    %squeeze3A_40 = vector.shape_cast %slice3A_39 : vector<1x128xf32> to vector<128xf32>
    %mul3A_41 = arith.constant 0.949999988 : f32
    %mul3A_42 = vector.broadcast %mul3A_41 : f32 to vector<128xf32>
    %mul3A_43 = arith.mulf %mul3A_42, %squeeze3A_40 : vector<128xf32>
    %add3A_44 = arith.addf %mul3A_43, %slice3A_3 : vector<128xf32>
    %broadcast_in_dim3A_45 = vector.shape_cast %add3A_38 : vector<128xf32> to vector<128x1xf32>
    %broadcast_in_dim3A_46 = vector.broadcast %broadcast_in_dim3A_45 : vector<128x1xf32> to vector<128x128xf32>
    %broadcast_in_dim3A_47 = vector.shape_cast %add3A_44 : vector<128xf32> to vector<1x128xf32>
    %broadcast_in_dim3A_48 = vector.broadcast %broadcast_in_dim3A_47 : vector<1x128xf32> to vector<128x128xf32>
    %mul3A_49 = arith.mulf %broadcast_in_dim3A_46, %broadcast_in_dim3A_48 : vector<128x128xf32>
    %mul3A_50 = arith.constant 2.500000e-01 : f32
    %mul3A_51 = vector.broadcast %mul3A_50 : f32 to vector<128x128xf32>
    %mul3A_52 = arith.mulf %mul3A_51, %mul3A_49 : vector<128x128xf32>
    %add3A_53 = arith.addf %add3A_32, %mul3A_52 : vector<128x128xf32>
    %slice3A_54 = vector.extract_strided_slice %get3A_6 {offsets = [2, 0], sizes = [1, 128], strides = [1, 1]} : vector<4x128xf32> to vector<1x128xf32>
    %squeeze3A_55 = vector.shape_cast %slice3A_54 : vector<1x128xf32> to vector<128xf32>
    %mul3A_56 = arith.constant 0.899999976 : f32
    %mul3A_57 = vector.broadcast %mul3A_56 : f32 to vector<128xf32>
    %mul3A_58 = arith.mulf %mul3A_57, %squeeze3A_55 : vector<128xf32>
    %add3A_59 = arith.addf %mul3A_58, %slice3A : vector<128xf32>
    %slice3A_60 = vector.extract_strided_slice %get3A_9 {offsets = [2, 0], sizes = [1, 128], strides = [1, 1]} : vector<4x128xf32> to vector<1x128xf32>
    %squeeze3A_61 = vector.shape_cast %slice3A_60 : vector<1x128xf32> to vector<128xf32>
    %mul3A_62 = arith.constant 0.899999976 : f32
    %mul3A_63 = vector.broadcast %mul3A_62 : f32 to vector<128xf32>
    %mul3A_64 = arith.mulf %mul3A_63, %squeeze3A_61 : vector<128xf32>
    %add3A_65 = arith.addf %mul3A_64, %slice3A_3 : vector<128xf32>
    %broadcast_in_dim3A_66 = vector.shape_cast %add3A_59 : vector<128xf32> to vector<128x1xf32>
    %broadcast_in_dim3A_67 = vector.broadcast %broadcast_in_dim3A_66 : vector<128x1xf32> to vector<128x128xf32>
    %broadcast_in_dim3A_68 = vector.shape_cast %add3A_65 : vector<128xf32> to vector<1x128xf32>
    %broadcast_in_dim3A_69 = vector.broadcast %broadcast_in_dim3A_68 : vector<1x128xf32> to vector<128x128xf32>
    %mul3A_70 = arith.mulf %broadcast_in_dim3A_67, %broadcast_in_dim3A_69 : vector<128x128xf32>
    %mul3A_71 = arith.constant 2.500000e-01 : f32
    %mul3A_72 = vector.broadcast %mul3A_71 : f32 to vector<128x128xf32>
    %mul3A_73 = arith.mulf %mul3A_72, %mul3A_70 : vector<128x128xf32>
    %add3A_74 = arith.addf %add3A_53, %mul3A_73 : vector<128x128xf32>
    %slice3A_75 = vector.extract_strided_slice %get3A_6 {offsets = [3, 0], sizes = [1, 128], strides = [1, 1]} : vector<4x128xf32> to vector<1x128xf32>
    %squeeze3A_76 = vector.shape_cast %slice3A_75 : vector<1x128xf32> to vector<128xf32>
    %mul3A_77 = arith.constant 8.500000e-01 : f32
    %mul3A_78 = vector.broadcast %mul3A_77 : f32 to vector<128xf32>
    %mul3A_79 = arith.mulf %mul3A_78, %squeeze3A_76 : vector<128xf32>
    %add3A_80 = arith.addf %mul3A_79, %slice3A : vector<128xf32>
    %slice3A_81 = vector.extract_strided_slice %get3A_9 {offsets = [3, 0], sizes = [1, 128], strides = [1, 1]} : vector<4x128xf32> to vector<1x128xf32>
    %squeeze3A_82 = vector.shape_cast %slice3A_81 : vector<1x128xf32> to vector<128xf32>
    %mul3A_83 = arith.constant 8.500000e-01 : f32
    %mul3A_84 = vector.broadcast %mul3A_83 : f32 to vector<128xf32>
    %mul3A_85 = arith.mulf %mul3A_84, %squeeze3A_82 : vector<128xf32>
    %add3A_86 = arith.addf %mul3A_85, %slice3A_3 : vector<128xf32>
    %broadcast_in_dim3A_87 = vector.shape_cast %add3A_80 : vector<128xf32> to vector<128x1xf32>
    %broadcast_in_dim3A_88 = vector.broadcast %broadcast_in_dim3A_87 : vector<128x1xf32> to vector<128x128xf32>
    %broadcast_in_dim3A_89 = vector.shape_cast %add3A_86 : vector<128xf32> to vector<1x128xf32>
    %broadcast_in_dim3A_90 = vector.broadcast %broadcast_in_dim3A_89 : vector<1x128xf32> to vector<128x128xf32>
    %mul3A_91 = arith.mulf %broadcast_in_dim3A_88, %broadcast_in_dim3A_90 : vector<128x128xf32>
    %mul3A_92 = arith.constant 2.500000e-01 : f32
    %mul3A_93 = vector.broadcast %mul3A_92 : f32 to vector<128x128xf32>
    %mul3A_94 = arith.mulf %mul3A_93, %mul3A_91 : vector<128x128xf32>
    %add3A_95 = arith.addf %add3A_74, %mul3A_94 : vector<128x128xf32>
    %jit3A = arith.constant -0.00999999977 : f32
    %jit3A_96 = arith.constant 0.00999999977 : f32
    %max3A = vector.broadcast %jit3A : f32 to vector<128x128xf32>
    %max3A_97 = arith.maximumf %max3A, %add3A_95 : vector<128x128xf32>
    %min3A = vector.broadcast %jit3A_96 : f32 to vector<128x128xf32>
    %min3A_98 = arith.minimumf %min3A, %max3A_97 : vector<128x128xf32>
    %swap3A = arith.constant 0 : index
    %swap3A_99 = arith.constant 0 : index
    %swap3A_100 = vector.load %arg4[%swap3A, %swap3A_99] : memref<128x128xf32, #tpu.memory_space<vmem>>, vector<128x128xf32>
    tpu.vector_store %arg4[%swap3A, %swap3A_99], %min3A_98 {strides = array<i32>} : memref<128x128xf32, #tpu.memory_space<vmem>>, vector<128x128xf32>,
    return
  }
}

</mosaic_0001>

<sc_bundles>
// kernel: kernel.4.cloned.1.call-start
scs
__scs_entry_jumppad:
0x0: {  	(pc) =	sbr.rel $0x88, $3  }
0x1: {  	(tag) =	ssettag $0x0;
	lr =	simm.s32 $0x1  }
0x2: {  	[smem:$0x3F9C] =	sst lr;
	_ =	strace $0xD0000000  }
0x3: {  	_ = 	snop  }
0x4: {  	_ = 	snop  }
0x5: {  	_ = 	snop  }
0x6: {  	_ = 	snop  }
0x7: {  	_ = 	snop  }
__scs_overlays_trampoline_lowered:
0x8: {  	[smem:$0x3FAB] =	sst s0  }
0x9: {  	[smem:$0x3FAC] =	sst s1  }
0xa: {  	[smem:$0x3FAD] =	sst s2  }
0xb: {  	[smem:$0x3FAE] =	sst s3  }
0xc: {  	[smem:$0x3FAF] =	sst s4  }
0xd: {  	[smem:$0x3FB0] =	sst s5  }
0xe: {  	[smem:$0x3FB1] =	sst s6  }
0xf: {  	[smem:$0x3FB2] =	sst s7  }
0x10: {  	[smem:$0x3FB3] =	sst s8  }
0x11: {  	[smem:$0x3FB4] =	sst s9;
	s0 =	simm.s32 @!p0 $0x0  }
0x12: {  	s1 =	sld [smem:$0x3F9A];
	s0 =	simm.s32 @p0 $0x1  }
0x13: {  	[smem:$0x3FB5] =	sst s0;
	s0 =	simm.s32 @!p1 $0x0  }
0x14: {  	s2 =	sld [smem:$0x3F99];
	s0 =	simm.s32 @p1 $0x1  }
0x15: {  	[smem:$0x3FB6] =	sst s0;
	s0 =	simm.s32 @!p2 $0x0  }
0x16: {  	s3 =	sld [smem:$0x3FDB];
	s0 =	simm.s32 @p2 $0x1  }
0x17: {  	s4 =	simm.s32 $0x1BF5;
	[smem:$0x3FB8] =	sst s0  }
0x18: {  	s0 =	sld [smem:$0x3F9B];
	_ =	swait.ge [sflag:s4], $0x0  }
0x19: {  	s7 =	sld [smem:$0x3F9C]  }
0x1a: {  	s8 =	sadd.s32 $0xFFFFE003, lr  }
0x1b: {  	s9 =	sadd.s32 $0xFFFFFEF7, lr;
	s5 =	simm.s32 $0xFFFFFFFF;
	p2 =	slt.u32 s8, $0xFFFFF086  }
0x1c: {  	p1 =	slt.u32 s9, $0xF7A;
	s5 =	simm.s32 @!p2 $0x0  }
0x1d: {  	s5 =	simm.s32 @p1 $0x1;
	p0 =	seq.s32 s7, s2  }
0x1e: {  	s7 =	smul.u32 @!p0 $0xF7A, s2;
	p2 =	seq.s32 @!p0 s5, $0x0  }
0x1f: {  	s9 =	smul.u32 $0xF7A, s1;
	s8 =	simm.s32 @!p0 $0x1BF5;
	p2 =	por !p2, p0  }
0x20: {  	[sflag:s8] =	ssyncset.s32 @!p0 $0xFFFFF086;
	s6 =	sadd.s32 @!p0 s3, s7;
	s7 =	simm.s32 @!p0 $0x108  }
0x21: {  	s3 =	sadd.s32 s3, s9;
	s6 =	sadd.s32 @!p0 $0x88, s6;
	s7 =	simm.s32 @p2 $0x1082  }
0x22: {  	[simem:s7], [sflag:s8] =	dma.local @!p0 [hbm:s6], $0xF7A  }
0x23: {  	s9 =	sor.u32 $0xD0000000, s2;
	s6 =	simm.s32 $0x108;
	_ =	swait.ge @!p0 [sflag:s8], $0x0  }
0x24: {  	s3 =	sadd.s32 $0x88, s3;
	s6 =	simm.s32 @!p1 $0x1082;
	[sflag:s4] =	ssyncset.s32 $0xFFFFF086  }
0x25: {  	[simem:s6], [sflag:s4] =	dma.local [hbm:s3], $0xF7A  }
0x26: {  	[smem:$0x3F9C] =	sst s1;
	(tag) =	ssettag s2;
	_ =	strace s9  }
0x27: {  	s1 =	sld [smem:$0x3FAC]  }
0x28: {  	s2 =	sld [smem:$0x3FAD]  }
0x29: {  	s4 =	sld [smem:$0x3FAF]  }
0x2a: {  	p0 =	seq.s32 s5, $0x0;
	s5 =	sld [smem:$0x3FB0]  }
0x2b: {  	s6 =	sld [smem:$0x3FB1]  }
0x2c: {  	s7 =	sld [smem:$0x3FB2]  }
0x2d: {  	s3 =	simm.s32 $0x108;
	s8 =	sld [smem:$0x3FB3]  }
0x2e: {  	s3 =	simm.s32 @!p0 $0x1082;
	s9 =	sld [smem:$0x3FB4]  }
0x2f: {  	lr =	sadd.s32 s0, s3;
	s0 =	sld [smem:$0x3FAB]  }
0x30: {  	s3 =	sld [smem:$0x3FAE]  }
0x31: {  	[smem:$0x3FB7] =	sst s10  }
0x32: {  	s10 =	sld [smem:$0x3FB5];
	_ =	sdelay $0x3  }
0x33: {  	p0 =	seq.s32 s10, $0x1;
	s10 =	sld [smem:$0x3FB7];
	_ =	sdelay $0x3  }
0x34: {  	[smem:$0x3FB7] =	sst s10  }
0x35: {  	s10 =	sld [smem:$0x3FB6];
	_ =	sdelay $0x3  }
0x36: {  	p1 =	seq.s32 s10, $0x1;
	s10 =	sld [smem:$0x3FB7];
	_ =	sdelay $0x3  }
0x37: {  	[smem:$0x3FB7] =	sst s10  }
0x38: {  	s10 =	sld [smem:$0x3FB8]  }
0x39: {  	_ = 	snop;
	(pc) =	sbr.ind lr, $3  }
0x3a: {  	_ = 	snop  }
0x3b: {  	_ = 	snop  }
0x3c: {  	p2 =	seq.s32 s10, $0x1;
	s10 =	sld [smem:$0x3FB7]  }
0x3d: {  	_ =	shalt  }
0x3e: {  	_ =	shalt  }
0x3f: {  	_ =	shalt  }
0x40: {  	_ =	shalt  }
0x41: {  	_ =	shalt  }
0x42: {  	_ =	shalt  }
0x43: {  	_ =	shalt  }
0x44: {  	_ =	shalt  }
0x45: {  	_ =	shalt  }
0x46: {  	_ =	shalt  }
0x47: {  	_ =	shalt  }
0x48: {  	_ =	shalt  }
0x49: {  	_ =	shalt  }
0x4a: {  	_ =	shalt  }
0x4b: {  	_ =	shalt  }
0x4c: {  	_ =	shalt  }
0x4d: {  	_ =	shalt  }
0x4e: {  	_ =	shalt  }
0x4f: {  	_ =	shalt  }
0x50: {  	_ =	shalt  }
0x51: {  	_ =	shalt  }
0x52: {  	_ =	shalt  }
0x53: {  	_ =	shalt  }
0x54: {  	_ =	shalt  }
0x55: {  	_ =	shalt  }
0x56: {  	_ =	shalt  }
0x57: {  	_ =	shalt  }
0x58: {  	_ =	shalt  }
0x59: {  	_ =	shalt  }
0x5a: {  	_ =	shalt  }
0x5b: {  	_ =	shalt  }
0x5c: {  	_ =	shalt  }
0x5d: {  	_ =	shalt  }
0x5e: {  	_ =	shalt  }
0x5f: {  	_ =	shalt  }
0x60: {  	_ =	shalt  }
0x61: {  	_ =	shalt  }
0x62: {  	_ =	shalt  }
0x63: {  	_ =	shalt  }
0x64: {  	_ =	shalt  }
0x65: {  	_ =	shalt  }
0x66: {  	_ =	shalt  }
0x67: {  	_ =	shalt  }
0x68: {  	_ =	shalt  }
0x69: {  	_ =	shalt  }
0x6a: {  	_ =	shalt  }
0x6b: {  	_ =	shalt  }
0x6c: {  	_ =	shalt  }
0x6d: {  	_ =	shalt  }
0x6e: {  	_ =	shalt  }
0x6f: {  	_ =	shalt  }
0x70: {  	_ =	shalt  }
0x71: {  	_ =	shalt  }
0x72: {  	_ =	shalt  }
0x73: {  	_ =	shalt  }
0x74: {  	_ =	shalt  }
0x75: {  	_ =	shalt  }
0x76: {  	_ =	shalt  }
0x77: {  	_ =	shalt  }
0x78: {  	_ =	shalt  }
0x79: {  	_ =	shalt  }
0x7a: {  	_ =	shalt  }
0x7b: {  	_ =	shalt  }
0x7c: {  	_ =	shalt  }
0x7d: {  	_ =	shalt  }
0x7e: {  	_ =	shalt  }
0x7f: {  	_ =	shalt  }
0x80: {  	_ =	shalt  }
0x81: {  	_ =	shalt  }
0x82: {  	_ =	shalt  }
0x83: {  	_ =	shalt  }
0x84: {  	_ =	shalt  }
0x85: {  	_ =	shalt  }
0x86: {  	_ =	shalt  }
0x87: {  	_ =	shalt  }
.Lfunc_end0:
.L_simem_size_0:
called_computation_lowered:
.L_overlay_start_0:
0x88: {  	s2 =	sld [smem:$0x3FD9]  }
0x89: {  	s3 =	sld [smem:$0x3FFE];
	_ =	sdelay $0x1  }
0x8a: {  	s1 =	srdreg.scid  }
0x8b: {  	s0 =	sand.u32 $0x1, s1  }
0x8c: {  	s18 =	sshll.u32 s0, $0xA;
	s2 =	sadd.s32 s3, s2  }
0x8d: {  	s2 =	sadd.s32 s2, s18  }
0x8e: {  	[smem:$0x3FC3] =	sst s2  }
0x8f: {  	_ = 	snop  }
0x90: {  	s2 =	sld [smem:$0x3FC9]  }
0x91: {  	s19 =	sld [smem:$0x3FC8]  }
0x92: {  	s4 =	sld [smem:$0x3FD0];
	(tm) =	ssettm $0x1  }
0x93: {  	s5 =	sld [smem:$0x3FFB];
	_ =	sdelay $0x3  }
0x94: {  	_ =	strace s5  }
0x95: {  	s5 =	sld [smem:$0x3FFC];
	_ =	sdelay $0x3  }
0x96: {  	_ =	strace s5  }
0x97: {  	s5 =	sld [smem:$0x3FFD];
	_ =	sdelay $0x3  }
0x98: {  	_ =	strace s5  }
0x99: {  	_ =	strace $0x8FFFFFFF  }
0x9a: {  	s20 =	sld [smem:$0x3FDB];
	_ =	sdelay $0x1  }
0x9b: {  	s6 =	simm.s32 $_scs_section_size  }
0x9c: {  	s7 =	simm.s32 $_size__tile_overlayer_lowered;
	s8 =	simm.s32 $_tile_overlayer_lowered  }
0x9d: {  	s23 =	simm.s32 $0x1BFF;
	s22 =	sshll.u32 s8, $0x1;
	s5 =	sadd.s32 s6, s20  }
0x9e: {  	s9 =	simm.s32 $0x0;
	s21 =	sshll.u32 s7, $0x1;
	s7 =	sadd.s32 s22, s5  }
0x9f: {  	[timem:s9], [sflag:s23] =	dma.local [hbm:s7], s21  }
0xa0: {  	_ =	swait.ge [sflag:s23], s21  }
0xa1: {  	s6 =	ssub.s32 $0x0, s21;
	[sflag:s23] =	ssyncset.done $0x0  }
0xa2: {  	[sflag:s23] =	ssyncadd.s32 s6;
	_ =	sdelay $0x1  }
0xa3: {  	s24 =	simm.s32 $0x1B8B  }
0xa4: {  	_ =	swait.ge [sflag:s24], $0x1  }
0xa5: {  	[sflag:s24] =	ssyncset.done $0x0  }
0xa6: {  	s25 =	simm.s32 $0x1B8E;
	[sflag:s24] =	ssyncadd.s32 $0xFFFFFFFF  }
0xa7: {  	s26 =	simm.s32 $execute0_lowered;
	[smem:$0x3FD2] =	sst s25  }
0xa8: {  	s6 =	sshll.u32 s26, $0x1;
	_ =	strace $0x80000046;
	[dreg:$0x1] =	wrdreg $0xFFFFFFFF  }
0xa9: {  	s28 =	simm.s32 $_size_execute0_lowered;
	s5 =	sadd.s32 s5, s6;
	[dreg:$0x0] =	wrdreg $0x0  }
0xaa: {  	s6 =	sshll.u32 s28, $0x1;
	[dreg:$0x2] =	wrdreg s5  }
0xab: {  	[dreg:$0x3] =	wrdreg s6  }
0xac: {  	[dreg:$0x4] =	wrdreg $0xC0  }
0xad: {  	_ =	task [dreg:s9], $0x5FFFF  }
0xae: {  	[dreg:$0x1] =	wrdreg $0xFFFFFFFF  }
0xaf: {  	[dreg:$0x0] =	wrdreg $0x60  }
0xb0: {  	[dreg:$0x2] =	wrdreg s2  }
0xb1: {  	[dreg:$0x3] =	wrdreg s19  }
0xb2: {  	[dreg:$0x4] =	wrdreg s4  }
0xb3: {  	[dreg:$0x5] =	wrdreg $0x9  }
0xb4: {  	_ =	task.clear_ibuf [dreg:s9], $0x6FFFF;
	_ =	strace $0x90000046  }
0xb5: {  	s29 =	simm.s32 $0x9;
	_ =	strace $0x80000048  }
0xb6: {  	_ =	swait.ge [sflag:s29], $0x1  }
0xb7: {  	[sflag:s29] =	ssyncadd.s32 $0xFFFFFFFF  }
0xb8: {  	_ =	strace $0x90000048  }
0xb9: {  	_ =	sfence  }
0xba: {  	s30 =	sld [smem:$0x0];
	_ =	sdelay $0x2  }
0xbb: {  	s31 =	sshll.u32 s1, $0xD;
	s1 =	sshrl.u32 s1, $0x2  }
0xbc: {  	s3 =	sand.u32 $0x4000, s31;
	s1 =	sadd.s32 s1, s30  }
0xbd: {  	s0 =	sor.u32 s3, s0;
	s1 =	sshll.u32 s1, $0x11  }
0xbe: {  	s0 =	sor.u32 s1, s0  }
0xbf: {  	s0 =	sadd.s32 $0x8F2B, s0  }
0xc0: {  	[sflag:s0] =	ssyncadd.remote.s32 $0x1  }
0xc1: {  	_ =	sfence.sel $0xFFFF  }
0xc2: {  	[dreg:$0x0] =	wrdreg $0xFFFFFFFF;
	(pc) =	sbr.abs _section_cstart, $3  }
0xc3: {  	[dreg:$0x1] =	wrdreg $0xFFFFFFFF  }
0xc4: {  	_ =	task.clear_ibuf [dreg:s9], $0x2FFFF;
	_ =	strace $0x9FFFFFFF  }
0xc5: {  	(tm) =	ssettm $0x7FFFFFFF  }
tec
execute0_lowered:
.L_overlay_start_1:
0x0: {  	(tag) =	ssettag $0x1  }
0x1: {  	s3 =	rddreg [dreg:$0x0]  }
0x2: {  	s4 =	rddreg [dreg:$0x1]  }
0x3: {  	s5 =	rddreg [dreg:$0x2];
	s1 =	srdreg.scid  }
0x4: {  	s0 =	rddreg [dreg:$0x3];
	s2 =	simm.s32 $0x0;
	s10 =	simm.s32 $0x10000  }
0x5: {  	s11 =	simm.s32 $0x80;
	s12 =	simm.s32 $0x400;
	s13 =	simm.s32 $0x11000  }
0x6: {  	s14 =	simm.s32 $0x3;
	s15 =	simm.s32 $0x0;
	s6 =	sand.u32 $0x1, s1  }
0x7: {  	[smem:$0x7FF] =	sst s2;
	s1 =	stileid.u32;
	s7 =	ssub.s32 $0x2, s6  }
0x8: {  	_ =	strace $0x80000047;
	s9 =	sshll.u32 s1, $0x1;
	s8 =	sshrl.u32 s7, $0x1  }
0x9: {  	s31 =	sshll.u32 s1, $0x6;
	s6 =	sor.u32 s6, s9;
	s7 =	ssub.s32 s7, s8  }
0xa: {  	s9 =	sshll.u32 s6, $0xC;
	s8 =	sand.u32 $0x300, s31;
	s6 =	sshll.u32 s6, $0x4  }
0xb: {  	v1 =	vlaneseq.u32;
	s3 =	sadd.s32 s3, s9;
	s6 =	sand.u32 $0x70, s6;
	s5 =	sadd.s32 s5, s8  }
0xc: {  	v4 =	vmul.u32 $0x10, v1;
	s4 =	sadd.s32 s4, s9;
	s8 =	simm.s32 $0x1;
	s9 =	simm.s32 $0x2  }
0xd: {  	v0 =	vimm.f32 $0.0e+00;
	v3 =	vimm.f32 $1.000000000e+00;
	v2 =	vor.u32 $0x800, v1;
	s5 =	sadd.s32 s6, s5;
	s6 =	smax.u32 s7, $0x1;
	s7 =	simm.s32 $0x8000  }
.LBB2_1:
0xe: {  	[tilespmem:s2], [sflag:$0x1] =	stream.linear.gather [hbm4b:s3+s2], $0x8000, $0x38;
	[tilespmem:$0x11100] =	vst v63  }
0xf: {  	s16 =	simm.s32 $0x0;
	s17 =	simm.s32 $0x400  }
0x10: {  	[tilespmem:s7], [sflag:$0x2] =	stream.linear.gather [hbm4b:s4+s2], $0x8000, $0x38;
	[tilespmem:$0x11100] =	vst v63  }
.LBB2_2:
0x11: {  	p0 =	sne.s32 s17, $0x3C00;
	[tilespmem:s16+$0x100F0] =	vst v0  }
0x12: {  	[tilespmem:s16+$0x10000] =	vst v0  }
0x13: {  	[tilespmem:s16+$0x10010] =	vst v0  }
0x14: {  	[tilespmem:s16+$0x10020] =	vst v0  }
0x15: {  	[tilespmem:s16+$0x10030] =	vst v0  }
0x16: {  	[tilespmem:s16+$0x10040] =	vst v0  }
0x17: {  	[tilespmem:s16+$0x10050] =	vst v0  }
0x18: {  	[tilespmem:s16+$0x10060] =	vst v0  }
0x19: {  	[tilespmem:s16+$0x10070] =	vst v0  }
0x1a: {  	[tilespmem:s16+$0x10080] =	vst v0  }
0x1b: {  	[tilespmem:s16+$0x10090] =	vst v0  }
.Ltmp0:
0x1c: {  	[tilespmem:s16+$0x100A0] =	vst v0;
	(pc) =	sbr.rel @p0 .LBB2_2-.Ltmp0, $4  }
0x1d: {  	[tilespmem:s16+$0x100B0] =	vst v0  }
0x1e: {  	[tilespmem:s16+$0x100C0] =	vst v0  }
0x1f: {  	[tilespmem:s16+$0x100D0] =	vst v0  }
0x20: {  	[tilespmem:s16+$0x100E0] =	vst v0;
	s16 =	sshra.s32 s17, $0x2;
	s17 =	sadd.s32 $0x400, s17  }
0x21: {  	[tilespmem:s16+$0x100F0] =	vst v0  }
0x22: {  	[tilespmem:s16+$0x10000] =	vst v0  }
0x23: {  	[tilespmem:s16+$0x10010] =	vst v0  }
0x24: {  	[tilespmem:s16+$0x10020] =	vst v0  }
0x25: {  	[tilespmem:s16+$0x10030] =	vst v0  }
0x26: {  	[tilespmem:s16+$0x10040] =	vst v0  }
0x27: {  	[tilespmem:s16+$0x10050] =	vst v0  }
0x28: {  	[tilespmem:s16+$0x10060] =	vst v0  }
0x29: {  	[tilespmem:s16+$0x10070] =	vst v0  }
0x2a: {  	[tilespmem:s16+$0x10080] =	vst v0  }
0x2b: {  	[tilespmem:s16+$0x10090] =	vst v0  }
0x2c: {  	[tilespmem:s16+$0x100A0] =	vst v0  }
0x2d: {  	[tilespmem:s16+$0x100B0] =	vst v0  }
0x2e: {  	[tilespmem:s16+$0x100C0] =	vst v0  }
0x2f: {  	[tilespmem:s16+$0x100D0] =	vst v0  }
0x30: {  	[tilespmem:s16+$0x100E0] =	vst v0  }
0x31: {  	_ =	swait.ge [sflag:s8], $0x8000  }
0x32: {  	[sflag:s8] =	ssyncset.done $0x0  }
0x33: {  	[sflag:s8] =	ssyncadd.s32 $0xFFFF8000  }
0x34: {  	_ =	swait.ge [sflag:s9], $0x8000  }
0x35: {  	[sflag:s9] =	ssyncset.done $0x0  }
0x36: {  	s31 =	simm.s32 $0x0;
	[sflag:s9] =	ssyncadd.s32 $0xFFFF8000  }
0x37: {  	v5 =	vld [tilespmem:s31+$0x80F0]  }
0x38: {  	v6 =	vld [tilespmem:s31+$0x80E0]  }
0x39: {  	v7 =	vld [tilespmem:s31+$0x80D0]  }
0x3a: {  	v8 =	vld [tilespmem:s31+$0x8020]  }
0x3b: {  	v9 =	vld [tilespmem:s31+$0xE0]  }
0x3c: {  	v10 =	vld [tilespmem:s31+$0xC0]  }
0x3d: {  	v11 =	vld [tilespmem:s31+$0x8000]  }
0x3e: {  	v12 =	vld [tilespmem:s31+$0xA0]  }
0x3f: {  	v13 =	vld [tilespmem:s31+$0x80]  }
0x40: {  	v14 =	vld [tilespmem:s31+$0x60]  }
0x41: {  	v15 =	vld [tilespmem:s31+$0x50]  }
0x42: {  	v16 =	vld [tilespmem:s31+$0x40]  }
0x43: {  	v17 =	vld [tilespmem:s31+$0x90]  }
0x44: {  	v18 =	vld [tilespmem:s31+$0x8010]  }
0x45: {  	v19 =	vld [tilespmem:s31+$0xF0]  }
0x46: {  	v20 =	vld [tilespmem:s31+$0xD0]  }
0x47: {  	v21 =	vld [tilespmem:s31+$0xB0]  }
0x48: {  	v22 =	vld [tilespmem:s31+$0x70]  }
0x49: {  	v23 =	vld [tilespmem:s31+$0x30]  }
0x4a: {  	v24 =	vld [tilespmem:s31+$0x10]  }
0x4b: {  	v25 =	vld [tilespmem:s31+$0x20]  }
0x4c: {  	v26 =	vld [tilespmem:s31+$0x0]  }
0x4d: {  	v27 =	vld [tilespmem:s31+$0x8060]  }
0x4e: {  	v28 =	vld [tilespmem:s31+$0x8080]  }
0x4f: {  	v29 =	vld [tilespmem:s31+$0x8070]  }
0x50: {  	v30 =	vld [tilespmem:s31+$0x80A0]  }
0x51: {  	v31 =	vld [tilespmem:s31+$0x8090];
	v26 =	vshll.u32 v26, $0x4  }
0x52: {  	v32 =	vld [tilespmem:s31+$0x80B0];
	v24 =	vshll.u32 v24, $0x4;
	v26 =	vor.u32 v1, v26  }
0x53: {  	v33 =	vld [tilespmem:s31+$0x80C0];
	v25 =	vshll.u32 v25, $0x4;
	v24 =	vor.u32 v1, v24  }
0x54: {  	v34 =	vld [tilespmem:s31+$0x8030];
	v23 =	vshll.u32 v23, $0x4;
	v25 =	vor.u32 v1, v25  }
0x55: {  	v35 =	vld [tilespmem:s31+$0x8040];
	v16 =	vshll.u32 v16, $0x4;
	v23 =	vor.u32 v1, v23  }
0x56: {  	v36 =	vld [tilespmem:s31+$0x8050];
	v15 =	vshll.u32 v15, $0x4;
	v16 =	vor.u32 v1, v16  }
0x57: {  	v14 =	vshll.u32 v14, $0x4;
	v15 =	vor.u32 v1, v15;
	[tilespmem:v26+s10+$0x0] =	vst.idx.add.f32.msk $0xffff, v3  }
0x58: {  	v22 =	vshll.u32 v22, $0x4;
	v14 =	vor.u32 v1, v14;
	[tilespmem:v24+s10+$0x0] =	vst.idx.add.f32.msk $0xffff, v3  }
0x59: {  	v13 =	vshll.u32 v13, $0x4;
	v22 =	vor.u32 v1, v22;
	[tilespmem:v25+s10+$0x0] =	vst.idx.add.f32.msk $0xffff, v3  }
0x5a: {  	v17 =	vshll.u32 v17, $0x4;
	v13 =	vor.u32 v1, v13;
	[tilespmem:v23+s10+$0x0] =	vst.idx.add.f32.msk $0xffff, v3  }
0x5b: {  	v12 =	vshll.u32 v12, $0x4;
	v43 =	vor.u32 v1, v17;
	[tilespmem:v16+s10+$0x0] =	vst.idx.add.f32.msk $0xffff, v3  }
0x5c: {  	v44 =	vshll.u32 v21, $0x4;
	v12 =	vor.u32 v1, v12;
	[tilespmem:v15+s10+$0x0] =	vst.idx.add.f32.msk $0xffff, v3  }
0x5d: {  	v10 =	vshll.u32 v10, $0x4;
	v45 =	vor.u32 v1, v44;
	[tilespmem:v14+s10+$0x0] =	vst.idx.add.f32.msk $0xffff, v3  }
0x5e: {  	v46 =	vshll.u32 v20, $0x4;
	v10 =	vor.u32 v1, v10;
	[tilespmem:v22+s10+$0x0] =	vst.idx.add.f32.msk $0xffff, v3  }
0x5f: {  	v9 =	vshll.u32 v9, $0x4;
	v47 =	vor.u32 v1, v46;
	[tilespmem:v13+s10+$0x0] =	vst.idx.add.f32.msk $0xffff, v3  }
0x60: {  	v48 =	vshll.u32 v19, $0x4;
	v9 =	vor.u32 v1, v9;
	[tilespmem:v43+s10+$0x0] =	vst.idx.add.f32.msk $0xffff, v3  }
0x61: {  	v11 =	vshll.u32 v11, $0x4;
	v49 =	vor.u32 v1, v48;
	[tilespmem:v12+s10+$0x0] =	vst.idx.add.f32.msk $0xffff, v3  }
0x62: {  	v50 =	vshll.u32 v18, $0x4;
	v11 =	vadd.s32 v2, v11;
	[tilespmem:v45+s10+$0x0] =	vst.idx.add.f32.msk $0xffff, v3  }
0x63: {  	v8 =	vshll.u32 v8, $0x4;
	v51 =	vadd.s32 v2, v50;
	[tilespmem:v10+s10+$0x0] =	vst.idx.add.f32.msk $0xffff, v3  }
0x64: {  	v52 =	vshll.u32 v34, $0x4;
	v8 =	vadd.s32 v2, v8;
	[tilespmem:v47+s10+$0x0] =	vst.idx.add.f32.msk $0xffff, v3  }
0x65: {  	v53 =	vshll.u32 v35, $0x4;
	v10 =	vadd.s32 v2, v52;
	[tilespmem:v9+s10+$0x0] =	vst.idx.add.f32.msk $0xffff, v3  }
0x66: {  	v55 =	vshll.u32 v36, $0x4;
	v54 =	vadd.s32 v2, v53;
	[tilespmem:v49+s10+$0x0] =	vst.idx.add.f32.msk $0xffff, v3  }
0x67: {  	v56 =	vshll.u32 v27, $0x4;
	v13 =	vadd.s32 v2, v55;
	[tilespmem:v11+s10+$0x0] =	vst.idx.add.f32.msk $0xffff, v3  }
0x68: {  	v57 =	vshll.u32 v29, $0x4;
	v12 =	vadd.s32 v2, v56;
	[tilespmem:v51+s10+$0x0] =	vst.idx.add.f32.msk $0xffff, v3  }
0x69: {  	v58 =	vshll.u32 v28, $0x4;
	v11 =	vadd.s32 v2, v57;
	[tilespmem:v8+s10+$0x0] =	vst.idx.add.f32.msk $0xffff, v3  }
0x6a: {  	v59 =	vshll.u32 v31, $0x4;
	v14 =	vadd.s32 v2, v58;
	[tilespmem:v10+s10+$0x0] =	vst.idx.add.f32.msk $0xffff, v3  }
0x6b: {  	v60 =	vshll.u32 v30, $0x4;
	v8 =	vadd.s32 v2, v59;
	[tilespmem:v54+s10+$0x0] =	vst.idx.add.f32.msk $0xffff, v3  }
0x6c: {  	v61 =	vshll.u32 v32, $0x4;
	v10 =	vadd.s32 v2, v60;
	[tilespmem:v13+s10+$0x0] =	vst.idx.add.f32.msk $0xffff, v3  }
0x6d: {  	v62 =	vshll.u32 v33, $0x4;
	v9 =	vadd.s32 v2, v61;
	[tilespmem:v12+s10+$0x0] =	vst.idx.add.f32.msk $0xffff, v3  }
0x6e: {  	v7 =	vshll.u32 v7, $0x4;
	v63 =	vadd.s32 v2, v62;
	[tilespmem:v11+s10+$0x0] =	vst.idx.add.f32.msk $0xffff, v3  }
0x6f: {  	v6 =	vshll.u32 v6, $0x4;
	v7 =	vadd.s32 v2, v7;
	[tilespmem:v14+s10+$0x0] =	vst.idx.add.f32.msk $0xffff, v3  }
0x70: {  	v5 =	vshll.u32 v5, $0x4;
	v6 =	vadd.s32 v2, v6;
	[tilespmem:v8+s10+$0x0] =	vst.idx.add.f32.msk $0xffff, v3  }
0x71: {  	v5 =	vadd.s32 v2, v5;
	[tilespmem:v10+s10+$0x0] =	vst.idx.add.f32.msk $0xffff, v3  }
0x72: {  	[tilespmem:v9+s10+$0x0] =	vst.idx.add.f32.msk $0xffff, v3  }
0x73: {  	[tilespmem:v63+s10+$0x0] =	vst.idx.add.f32.msk $0xffff, v3  }
0x74: {  	[tilespmem:v7+s10+$0x0] =	vst.idx.add.f32.msk $0xffff, v3  }
0x75: {  	s16 =	simm.s32 $0x400;
	[tilespmem:v6+s10+$0x0] =	vst.idx.add.f32.msk $0xffff, v3  }
.LBB2_4:
0x76: {  	s17 =	sshra.s32 s16, $0x2;
	p0 =	sne.s32 s16, $0x1FC00;
	s16 =	sadd.s32 $0x400, s16;
	[tilespmem:v5+s10+$0x0] =	vst.idx.add.f32.msk $0xffff, v3  }
0x77: {  	v5 =	vld [tilespmem:s17+$0x80F0]  }
0x78: {  	v6 =	vld [tilespmem:s17+$0x80E0]  }
0x79: {  	v7 =	vld [tilespmem:s17+$0x80D0]  }
0x7a: {  	v8 =	vld [tilespmem:s17+$0x8020]  }
0x7b: {  	v9 =	vld [tilespmem:s17+$0xE0]  }
0x7c: {  	v10 =	vld [tilespmem:s17+$0xC0];
	v5 =	vshll.u32 v5, $0x4  }
0x7d: {  	v11 =	vld [tilespmem:s17+$0x8000];
	v6 =	vshll.u32 v6, $0x4  }
0x7e: {  	v12 =	vld [tilespmem:s17+$0xA0];
	v7 =	vshll.u32 v7, $0x4  }
0x7f: {  	v13 =	vld [tilespmem:s17+$0x80]  }
0x80: {  	v14 =	vld [tilespmem:s17+$0x60]  }
0x81: {  	v15 =	vld [tilespmem:s17+$0x50]  }
0x82: {  	v16 =	vld [tilespmem:s17+$0x40]  }
0x83: {  	v17 =	vld [tilespmem:s17+$0x90]  }
0x84: {  	v18 =	vld [tilespmem:s17+$0x8010]  }
0x85: {  	v19 =	vld [tilespmem:s17+$0xF0]  }
0x86: {  	v20 =	vld [tilespmem:s17+$0xD0]  }
0x87: {  	v15 =	vshll.u32 v15, $0x4;
	v16 =	vshll.u32 v16, $0x4;
	v21 =	vld [tilespmem:s17+$0xB0]  }
0x88: {  	v14 =	vshll.u32 v14, $0x4;
	v15 =	vor.u32 v1, v15;
	v22 =	vld [tilespmem:s17+$0x70];
	v17 =	vshll.u32 v17, $0x4  }
0x89: {  	v14 =	vor.u32 v1, v14;
	v23 =	vld [tilespmem:s17+$0x30];
	v18 =	vshll.u32 v18, $0x4  }
0x8a: {  	v12 =	vshll.u32 v12, $0x4;
	v13 =	vshll.u32 v13, $0x4;
	v24 =	vld [tilespmem:s17+$0x10];
	v19 =	vshll.u32 v19, $0x4  }
0x8b: {  	v11 =	vshll.u32 v11, $0x4;
	v13 =	vor.u32 v1, v13;
	v25 =	vld [tilespmem:s17+$0x20];
	v20 =	vshll.u32 v20, $0x4  }
0x8c: {  	v10 =	vshll.u32 v10, $0x4;
	v26 =	vld [tilespmem:s17+$0x0];
	v21 =	vshll.u32 v21, $0x4  }
0x8d: {  	v9 =	vshll.u32 v9, $0x4;
	v12 =	vor.u32 v1, v12;
	v22 =	vshll.u32 v22, $0x4;
	v27 =	vld [tilespmem:s17+$0x8060]  }
0x8e: {  	v8 =	vshll.u32 v8, $0x4;
	v28 =	vld [tilespmem:s17+$0x8080]  }
0x8f: {  	v10 =	vor.u32 v1, v10;
	v24 =	vshll.u32 v24, $0x4;
	v29 =	vld [tilespmem:s17+$0x8070]  }
0x90: {  	v23 =	vshll.u32 v23, $0x4;
	v25 =	vshll.u32 v25, $0x4;
	v30 =	vld [tilespmem:s17+$0x80A0]  }
0x91: {  	v23 =	vor.u32 v1, v23;
	v26 =	vshll.u32 v26, $0x4;
	v31 =	vld [tilespmem:s17+$0x8090]  }
0x92: {  	v9 =	vor.u32 v1, v9;
	v24 =	vor.u32 v1, v24;
	v32 =	vld [tilespmem:s17+$0x80B0];
	v26 =	vor.u32 v1, v26  }
0x93: {  	v11 =	vadd.s32 v2, v11;
	v25 =	vor.u32 v1, v25;
	v27 =	vshll.u32 v27, $0x4;
	v33 =	vld [tilespmem:s17+$0x80C0]  }
0x94: {  	v28 =	vshll.u32 v28, $0x4;
	v34 =	vld [tilespmem:s17+$0x8030];
	v29 =	vshll.u32 v29, $0x4  }
0x95: {  	v16 =	vor.u32 v1, v16;
	v35 =	vld [tilespmem:s17+$0x8040];
	v30 =	vshll.u32 v30, $0x4  }
0x96: {  	v36 =	vld [tilespmem:s17+$0x8050];
	v31 =	vshll.u32 v31, $0x4  }
0x97: {  	v8 =	vadd.s32 v2, v8;
	v32 =	vshll.u32 v32, $0x4;
	[tilespmem:v26+s10+$0x0] =	vst.idx.add.f32.msk $0xffff, v3  }
0x98: {  	v26 =	vshll.u32 v33, $0x4;
	[tilespmem:v24+s10+$0x0] =	vst.idx.add.f32.msk $0xffff, v3  }
0x99: {  	v22 =	vor.u32 v1, v22;
	v24 =	vshll.u32 v34, $0x4;
	[tilespmem:v25+s10+$0x0] =	vst.idx.add.f32.msk $0xffff, v3  }
0x9a: {  	v25 =	vshll.u32 v35, $0x4;
	[tilespmem:v23+s10+$0x0] =	vst.idx.add.f32.msk $0xffff, v3  }
0x9b: {  	[tilespmem:v16+s10+$0x0] =	vst.idx.add.f32.msk $0xffff, v3;
	v16 =	vor.u32 v1, v17  }
0x9c: {  	[tilespmem:v15+s10+$0x0] =	vst.idx.add.f32.msk $0xffff, v3  }
0x9d: {  	[tilespmem:v14+s10+$0x0] =	vst.idx.add.f32.msk $0xffff, v3;
	v14 =	vor.u32 v1, v21  }
0x9e: {  	[tilespmem:v22+s10+$0x0] =	vst.idx.add.f32.msk $0xffff, v3  }
0x9f: {  	[tilespmem:v13+s10+$0x0] =	vst.idx.add.f32.msk $0xffff, v3;
	v13 =	vor.u32 v1, v20  }
0xa0: {  	[tilespmem:v16+s10+$0x0] =	vst.idx.add.f32.msk $0xffff, v3  }
0xa1: {  	[tilespmem:v12+s10+$0x0] =	vst.idx.add.f32.msk $0xffff, v3;
	v12 =	vor.u32 v1, v19  }
0xa2: {  	[tilespmem:v14+s10+$0x0] =	vst.idx.add.f32.msk $0xffff, v3  }
0xa3: {  	v15 =	vadd.s32 v2, v24;
	v14 =	vadd.s32 v2, v18;
	[tilespmem:v10+s10+$0x0] =	vst.idx.add.f32.msk $0xffff, v3  }
0xa4: {  	[tilespmem:v13+s10+$0x0] =	vst.idx.add.f32.msk $0xffff, v3  }
0xa5: {  	v10 =	vadd.s32 v2, v25;
	[tilespmem:v9+s10+$0x0] =	vst.idx.add.f32.msk $0xffff, v3  }
0xa6: {  	v9 =	vshll.u32 v36, $0x4;
	[tilespmem:v12+s10+$0x0] =	vst.idx.add.f32.msk $0xffff, v3  }
0xa7: {  	v9 =	vadd.s32 v2, v9;
	[tilespmem:v11+s10+$0x0] =	vst.idx.add.f32.msk $0xffff, v3  }
0xa8: {  	v11 =	vadd.s32 v2, v27;
	[tilespmem:v14+s10+$0x0] =	vst.idx.add.f32.msk $0xffff, v3  }
0xa9: {  	v12 =	vadd.s32 v2, v29;
	[tilespmem:v8+s10+$0x0] =	vst.idx.add.f32.msk $0xffff, v3  }
0xaa: {  	v8 =	vadd.s32 v2, v28;
	[tilespmem:v15+s10+$0x0] =	vst.idx.add.f32.msk $0xffff, v3  }
0xab: {  	v13 =	vadd.s32 v2, v31;
	[tilespmem:v10+s10+$0x0] =	vst.idx.add.f32.msk $0xffff, v3  }
0xac: {  	v10 =	vadd.s32 v2, v30;
	[tilespmem:v9+s10+$0x0] =	vst.idx.add.f32.msk $0xffff, v3  }
0xad: {  	v9 =	vadd.s32 v2, v32;
	[tilespmem:v11+s10+$0x0] =	vst.idx.add.f32.msk $0xffff, v3  }
0xae: {  	v11 =	vadd.s32 v2, v26;
	[tilespmem:v12+s10+$0x0] =	vst.idx.add.f32.msk $0xffff, v3  }
0xaf: {  	v7 =	vadd.s32 v2, v7;
	[tilespmem:v8+s10+$0x0] =	vst.idx.add.f32.msk $0xffff, v3  }
0xb0: {  	v6 =	vadd.s32 v2, v6;
	[tilespmem:v13+s10+$0x0] =	vst.idx.add.f32.msk $0xffff, v3  }
.Ltmp1:
0xb1: {  	v5 =	vadd.s32 v2, v5;
	[tilespmem:v10+s10+$0x0] =	vst.idx.add.f32.msk $0xffff, v3;
	(pc) =	sbr.rel @p0 .LBB2_4-.Ltmp1, $4  }
0xb2: {  	[tilespmem:v9+s10+$0x0] =	vst.idx.add.f32.msk $0xffff, v3  }
0xb3: {  	[tilespmem:v11+s10+$0x0] =	vst.idx.add.f32.msk $0xffff, v3  }
0xb4: {  	[tilespmem:v7+s10+$0x0] =	vst.idx.add.f32.msk $0xffff, v3  }
0xb5: {  	[tilespmem:v6+s10+$0x0] =	vst.idx.add.f32.msk $0xffff, v3  }
0xb6: {  	s16 =	simm.s32 $0x0  }
0xb7: {  	v6 =	vor.u32 s16, v4  }
0xb8: {  	s31 =	simm.s32 $0x1  }
0xb9: {  	v7 =	vor.u32 s31, v4  }
0xba: {  	s17 =	simm.s32 $0x2  }
0xbb: {  	[tilespmem:v5+s10+$0x0] =	vst.idx.add.f32.msk $0xffff, v3;
	v5 =	vor.u32 s17, v4  }
0xbc: {  	s18 =	simm.s32 $0x3;
	v6 =	vld.idx.msk [tilespmem:v6+s10+$0x0], $0xffff  }
0xbd: {  	v8 =	vor.u32 s18, v4  }
0xbe: {  	s19 =	simm.s32 $0x4;
	v7 =	vld.idx.msk [tilespmem:v7+s10+$0x0], $0xffff  }
0xbf: {  	v9 =	vor.u32 s19, v4  }
0xc0: {  	s20 =	simm.s32 $0x5;
	v5 =	vld.idx.msk [tilespmem:v5+s10+$0x0], $0xffff  }
0xc1: {  	v10 =	vor.u32 s20, v4;
	v6 =	vadd.f32 $0.0e+00, v6  }
0xc2: {  	s21 =	simm.s32 $0x6;
	v8 =	vld.idx.msk [tilespmem:v8+s10+$0x0], $0xffff  }
0xc3: {  	v11 =	vor.u32 s21, v4;
	v6 =	vadd.f32 v7, v6  }
0xc4: {  	s22 =	simm.s32 $0x7;
	v7 =	vld.idx.msk [tilespmem:v9+s10+$0x0], $0xffff  }
0xc5: {  	v43 =	vor.u32 s22, v4;
	v5 =	vadd.f32 v5, v6  }
0xc6: {  	s23 =	simm.s32 $0x8;
	v6 =	vld.idx.msk [tilespmem:v10+s10+$0x0], $0xffff  }
0xc7: {  	v44 =	vor.u32 s23, v4;
	v5 =	vadd.f32 v8, v5  }
0xc8: {  	s24 =	simm.s32 $0x9;
	v8 =	vld.idx.msk [tilespmem:v11+s10+$0x0], $0xffff  }
0xc9: {  	v45 =	vor.u32 s24, v4;
	v5 =	vadd.f32 v7, v5  }
0xca: {  	s25 =	simm.s32 $0xA;
	v7 =	vld.idx.msk [tilespmem:v43+s10+$0x0], $0xffff  }
0xcb: {  	v46 =	vor.u32 s25, v4;
	v5 =	vadd.f32 v6, v5  }
0xcc: {  	s26 =	simm.s32 $0xB;
	v6 =	vld.idx.msk [tilespmem:v44+s10+$0x0], $0xffff  }
0xcd: {  	v47 =	vor.u32 s26, v4;
	v5 =	vadd.f32 v8, v5  }
0xce: {  	s28 =	simm.s32 $0xC;
	v8 =	vld.idx.msk [tilespmem:v45+s10+$0x0], $0xffff  }
0xcf: {  	v48 =	vor.u32 s28, v4;
	v5 =	vadd.f32 v7, v5  }
0xd0: {  	s29 =	simm.s32 $0xD;
	v7 =	vld.idx.msk [tilespmem:v46+s10+$0x0], $0xffff  }
0xd1: {  	v49 =	vor.u32 s29, v4;
	v5 =	vadd.f32 v6, v5  }
0xd2: {  	s30 =	simm.s32 $0xE;
	v6 =	vld.idx.msk [tilespmem:v47+s10+$0x0], $0xffff  }
0xd3: {  	v50 =	vor.u32 s30, v4;
	v5 =	vadd.f32 v8, v5  }
0xd4: {  	s31 =	simm.s32 $0xF;
	v8 =	vld.idx.msk [tilespmem:v48+s10+$0x0], $0xffff  }
0xd5: {  	v51 =	vor.u32 s31, v4;
	v5 =	vadd.f32 v7, v5  }
0xd6: {  	v7 =	vld.idx.msk [tilespmem:v49+s10+$0x0], $0xffff  }
0xd7: {  	v5 =	vadd.f32 v6, v5  }
0xd8: {  	v6 =	vld.idx.msk [tilespmem:v50+s10+$0x0], $0xffff  }
0xd9: {  	v5 =	vadd.f32 v8, v5  }
0xda: {  	v8 =	vld.idx.msk [tilespmem:v51+s10+$0x0], $0xffff  }
0xdb: {  	v5 =	vadd.f32 v7, v5  }
0xdc: {  	s17 =	simm.s32 $0x100  }
0xdd: {  	v7 =	vor.u32 s17, v4;
	v5 =	vadd.f32 v6, v5  }
0xde: {  	s18 =	simm.s32 $0x101  }
0xdf: {  	v6 =	vor.u32 s18, v4;
	v5 =	vadd.f32 v8, v5  }
0xe0: {  	s16 =	simm.s32 $0x11000;
	s17 =	simm.s32 $0x102  }
0xe1: {  	v8 =	vor.u32 s17, v4;
	[tilespmem:s16+$0x0] =	vst v5  }
0xe2: {  	s19 =	simm.s32 $0x103;
	v5 =	vld.idx.msk [tilespmem:v7+s10+$0x0], $0xffff  }
0xe3: {  	v7 =	vor.u32 s19, v4  }
0xe4: {  	s20 =	simm.s32 $0x104;
	v6 =	vld.idx.msk [tilespmem:v6+s10+$0x0], $0xffff  }
0xe5: {  	v52 =	vor.u32 s20, v4  }
0xe6: {  	s21 =	simm.s32 $0x105;
	v8 =	vld.idx.msk [tilespmem:v8+s10+$0x0], $0xffff  }
0xe7: {  	v53 =	vor.u32 s21, v4;
	v5 =	vadd.f32 $0.0e+00, v5  }
0xe8: {  	s22 =	simm.s32 $0x106;
	v7 =	vld.idx.msk [tilespmem:v7+s10+$0x0], $0xffff  }
0xe9: {  	v54 =	vor.u32 s22, v4;
	v5 =	vadd.f32 v6, v5  }
0xea: {  	s23 =	simm.s32 $0x107;
	v6 =	vld.idx.msk [tilespmem:v52+s10+$0x0], $0xffff  }
0xeb: {  	v55 =	vor.u32 s23, v4;
	v5 =	vadd.f32 v8, v5  }
0xec: {  	s24 =	simm.s32 $0x108;
	v8 =	vld.idx.msk [tilespmem:v53+s10+$0x0], $0xffff  }
0xed: {  	v56 =	vor.u32 s24, v4;
	v5 =	vadd.f32 v7, v5  }
0xee: {  	s25 =	simm.s32 $0x109;
	v7 =	vld.idx.msk [tilespmem:v54+s10+$0x0], $0xffff  }
0xef: {  	v57 =	vor.u32 s25, v4;
	v5 =	vadd.f32 v6, v5  }
0xf0: {  	s26 =	simm.s32 $0x10A;
	v6 =	vld.idx.msk [tilespmem:v55+s10+$0x0], $0xffff  }
0xf1: {  	v58 =	vor.u32 s26, v4;
	v5 =	vadd.f32 v8, v5  }
0xf2: {  	s28 =	simm.s32 $0x10B;
	v8 =	vld.idx.msk [tilespmem:v56+s10+$0x0], $0xffff  }
0xf3: {  	v59 =	vor.u32 s28, v4;
	v5 =	vadd.f32 v7, v5  }
0xf4: {  	s29 =	simm.s32 $0x10C;
	v7 =	vld.idx.msk [tilespmem:v57+s10+$0x0], $0xffff  }
0xf5: {  	v60 =	vor.u32 s29, v4;
	v5 =	vadd.f32 v6, v5  }
0xf6: {  	s30 =	simm.s32 $0x10D;
	v6 =	vld.idx.msk [tilespmem:v58+s10+$0x0], $0xffff  }
0xf7: {  	v61 =	vor.u32 s30, v4;
	v5 =	vadd.f32 v8, v5  }
0xf8: {  	s31 =	simm.s32 $0x10E;
	v8 =	vld.idx.msk [tilespmem:v59+s10+$0x0], $0xffff  }
0xf9: {  	v62 =	vor.u32 s31, v4;
	v5 =	vadd.f32 v7, v5  }
0xfa: {  	s18 =	simm.s32 $0x10F;
	v7 =	vld.idx.msk [tilespmem:v60+s10+$0x0], $0xffff  }
0xfb: {  	v63 =	vor.u32 s18, v4;
	v5 =	vadd.f32 v6, v5  }
0xfc: {  	v9 =	vld.idx.msk [tilespmem:v61+s10+$0x0], $0xffff  }
0xfd: {  	v5 =	vadd.f32 v8, v5  }
0xfe: {  	v6 =	vld.idx.msk [tilespmem:v62+s10+$0x0], $0xffff  }
0xff: {  	v7 =	vadd.f32 v7, v5  }
0x100: {  	v5 =	vld.idx.msk [tilespmem:v63+s10+$0x0], $0xffff  }
0x101: {  	v7 =	vadd.f32 v9, v7  }
0x102: {  	s18 =	simm.s32 $0x30F;
	s17 =	simm.s32 $0x20F;
	s19 =	simm.s32 $0x200  }
.LBB2_6:
0x103: {  	p0 =	sne.s32 s18, $0xF0F;
	v8 =	vor.u32 s19, v4;
	v6 =	vadd.f32 v6, v7  }
0x104: {  	s19 =	sadd.s32 $0xFFFFFFF2, s17  }
0x105: {  	v7 =	vor.u32 s19, v4;
	v5 =	vadd.f32 v5, v6  }
0x106: {  	s16 =	sadd.s32 $0x10, s16;
	s19 =	sadd.s32 $0xFFFFFFF3, s17  }
0x107: {  	v6 =	vor.u32 s19, v4;
	[tilespmem:s16+$0x0] =	vst v5  }
0x108: {  	s19 =	sadd.s32 $0xFFFFFFF4, s17;
	v5 =	vld.idx.msk [tilespmem:v8+s10+$0x0], $0xffff  }
0x109: {  	v8 =	vor.u32 s19, v4  }
0x10a: {  	s19 =	sadd.s32 $0xFFFFFFF5, s17;
	v7 =	vld.idx.msk [tilespmem:v7+s10+$0x0], $0xffff  }
0x10b: {  	v9 =	vor.u32 s19, v4  }
0x10c: {  	s19 =	sadd.s32 $0xFFFFFFF6, s17;
	v6 =	vld.idx.msk [tilespmem:v6+s10+$0x0], $0xffff  }
0x10d: {  	v10 =	vor.u32 s19, v4  }
0x10e: {  	s19 =	sadd.s32 $0xFFFFFFF7, s17;
	v5 =	vadd.f32 $0.0e+00, v5;
	v8 =	vld.idx.msk [tilespmem:v8+s10+$0x0], $0xffff  }
0x10f: {  	v11 =	vor.u32 s19, v4  }
0x110: {  	s19 =	sadd.s32 $0xFFFFFFF8, s17;
	v5 =	vadd.f32 v7, v5;
	v7 =	vld.idx.msk [tilespmem:v9+s10+$0x0], $0xffff  }
0x111: {  	v9 =	vor.u32 s19, v4  }
0x112: {  	s19 =	sadd.s32 $0xFFFFFFF9, s17;
	v5 =	vadd.f32 v6, v5;
	v6 =	vld.idx.msk [tilespmem:v10+s10+$0x0], $0xffff  }
0x113: {  	v10 =	vor.u32 s19, v4  }
0x114: {  	s19 =	sadd.s32 $0xFFFFFFFA, s17;
	v5 =	vadd.f32 v8, v5;
	v8 =	vld.idx.msk [tilespmem:v11+s10+$0x0], $0xffff  }
0x115: {  	v11 =	vor.u32 s19, v4  }
0x116: {  	s19 =	sadd.s32 $0xFFFFFFFB, s17;
	v5 =	vadd.f32 v7, v5;
	v7 =	vld.idx.msk [tilespmem:v9+s10+$0x0], $0xffff  }
0x117: {  	v9 =	vor.u32 s19, v4  }
0x118: {  	s19 =	sadd.s32 $0xFFFFFFFC, s17;
	v5 =	vadd.f32 v6, v5;
	v6 =	vld.idx.msk [tilespmem:v10+s10+$0x0], $0xffff  }
0x119: {  	v10 =	vor.u32 s19, v4  }
0x11a: {  	s19 =	sadd.s32 $0xFFFFFFFD, s17;
	v5 =	vadd.f32 v8, v5;
	v8 =	vld.idx.msk [tilespmem:v11+s10+$0x0], $0xffff  }
0x11b: {  	v11 =	vor.u32 s19, v4  }
0x11c: {  	s19 =	sadd.s32 $0xFFFFFFFE, s17;
	v5 =	vadd.f32 v7, v5;
	v7 =	vld.idx.msk [tilespmem:v9+s10+$0x0], $0xffff  }
0x11d: {  	v9 =	vor.u32 s19, v4  }
0x11e: {  	s19 =	sadd.s32 $0xFFFFFFFF, s17;
	v5 =	vadd.f32 v6, v5;
	v6 =	vld.idx.msk [tilespmem:v10+s10+$0x0], $0xffff  }
0x11f: {  	v10 =	vor.u32 s19, v4  }
0x120: {  	v5 =	vadd.f32 v8, v5;
	v8 =	vld.idx.msk [tilespmem:v11+s10+$0x0], $0xffff  }
0x121: {  	v11 =	vor.u32 s17, v4;
	s17 =	smov.u32 s18  }
0x122: {  	v5 =	vadd.f32 v7, v5;
	v7 =	vld.idx.msk [tilespmem:v9+s10+$0x0], $0xffff;
	_ =	sdelay $0x1  }
0x123: {  	v5 =	vadd.f32 v6, v5;
	v6 =	vld.idx.msk [tilespmem:v10+s10+$0x0], $0xffff  }
.Ltmp2:
0x124: {  	(pc) =	sbr.rel @p0 .LBB2_6-.Ltmp2, $3  }
0x125: {  	v8 =	vadd.f32 v8, v5;
	v5 =	vld.idx.msk [tilespmem:v11+s10+$0x0], $0xffff;
	_ =	sdelay $0x1  }
0x126: {  	v7 =	vadd.f32 v7, v8  }
0x127: {  	s18 =	sadd.s32 $0x100, s18;
	s19 =	sadd.s32 $0xFFFFFFF1, s17  }
0x128: {  	v8 =	vor.u32 s19, v4;
	v6 =	vadd.f32 v6, v7  }
0x129: {  	s18 =	sadd.s32 $0xFFFFFFF2, s17  }
0x12a: {  	v7 =	vor.u32 s18, v4;
	v5 =	vadd.f32 v5, v6  }
0x12b: {  	s31 =	sadd.s32 $0xFFFFFFF3, s17;
	s16 =	sadd.s32 $0x10, s16  }
0x12c: {  	v6 =	vor.u32 s31, v4;
	[tilespmem:s16+$0x0] =	vst v5  }
0x12d: {  	s19 =	sadd.s32 $0xFFFFFFF4, s17;
	v5 =	vld.idx.msk [tilespmem:v8+s10+$0x0], $0xffff  }
0x12e: {  	v50 =	vor.u32 s19, v4  }
0x12f: {  	s20 =	sadd.s32 $0xFFFFFFF5, s17;
	v7 =	vld.idx.msk [tilespmem:v7+s10+$0x0], $0xffff  }
0x130: {  	v9 =	vor.u32 s20, v4  }
0x131: {  	s21 =	sadd.s32 $0xFFFFFFF6, s17;
	v6 =	vld.idx.msk [tilespmem:v6+s10+$0x0], $0xffff  }
0x132: {  	v10 =	vor.u32 s21, v4;
	v5 =	vadd.f32 $0.0e+00, v5  }
0x133: {  	s22 =	sadd.s32 $0xFFFFFFF7, s17;
	v8 =	vld.idx.msk [tilespmem:v50+s10+$0x0], $0xffff  }
0x134: {  	v11 =	vor.u32 s22, v4;
	v5 =	vadd.f32 v7, v5  }
0x135: {  	s23 =	sadd.s32 $0xFFFFFFF8, s17;
	v7 =	vld.idx.msk [tilespmem:v9+s10+$0x0], $0xffff  }
0x136: {  	v51 =	vor.u32 s23, v4;
	v5 =	vadd.f32 v6, v5  }
0x137: {  	s24 =	sadd.s32 $0xFFFFFFF9, s17;
	v6 =	vld.idx.msk [tilespmem:v10+s10+$0x0], $0xffff  }
0x138: {  	v52 =	vor.u32 s24, v4;
	v5 =	vadd.f32 v8, v5  }
0x139: {  	s25 =	sadd.s32 $0xFFFFFFFA, s17;
	v53 =	vld.idx.msk [tilespmem:v11+s10+$0x0], $0xffff  }
0x13a: {  	v54 =	vor.u32 s25, v4;
	v5 =	vadd.f32 v7, v5  }
0x13b: {  	s26 =	sadd.s32 $0xFFFFFFFB, s17;
	v7 =	vld.idx.msk [tilespmem:v51+s10+$0x0], $0xffff  }
0x13c: {  	v55 =	vor.u32 s26, v4;
	v5 =	vadd.f32 v6, v5  }
0x13d: {  	s28 =	sadd.s32 $0xFFFFFFFC, s17;
	v6 =	vld.idx.msk [tilespmem:v52+s10+$0x0], $0xffff  }
0x13e: {  	v56 =	vor.u32 s28, v4;
	v5 =	vadd.f32 v53, v5  }
0x13f: {  	s29 =	sadd.s32 $0xFFFFFFFD, s17;
	v57 =	vld.idx.msk [tilespmem:v54+s10+$0x0], $0xffff  }
0x140: {  	v58 =	vor.u32 s29, v4;
	v5 =	vadd.f32 v7, v5  }
0x141: {  	s30 =	sadd.s32 $0xFFFFFFFE, s17;
	v7 =	vld.idx.msk [tilespmem:v55+s10+$0x0], $0xffff  }
0x142: {  	v59 =	vor.u32 s30, v4;
	v5 =	vadd.f32 v6, v5  }
0x143: {  	s31 =	sadd.s32 $0xFFFFFFFF, s17;
	v6 =	vld.idx.msk [tilespmem:v56+s10+$0x0], $0xffff  }
0x144: {  	v60 =	vor.u32 s31, v4;
	v5 =	vadd.f32 v57, v5  }
0x145: {  	v61 =	vld.idx.msk [tilespmem:v58+s10+$0x0], $0xffff  }
0x146: {  	v62 =	vor.u32 s17, v4;
	v5 =	vadd.f32 v7, v5  }
0x147: {  	v7 =	vld.idx.msk [tilespmem:v59+s10+$0x0], $0xffff  }
0x148: {  	v5 =	vadd.f32 v6, v5  }
0x149: {  	v6 =	vld.idx.msk [tilespmem:v60+s10+$0x0], $0xffff  }
0x14a: {  	v5 =	vadd.f32 v61, v5  }
0x14b: {  	v63 =	vld.idx.msk [tilespmem:v62+s10+$0x0], $0xffff  }
0x14c: {  	v5 =	vadd.f32 v7, v5;
	_ =	sdelay $0x1  }
0x14d: {  	v5 =	vadd.f32 v6, v5;
	_ =	sdelay $0x1  }
0x14e: {  	s15 =	sadd.s32 $0x1, s15;
	v5 =	vadd.f32 v63, v5  }
0x14f: {  	p0 =	sne.s32 s15, s6;
	s16 =	sadd.s32 $0x10, s16  }
.Ltmp3:
0x150: {  	[tilespmem:s16+$0x0] =	vst v5;
	(pc) =	sbr.rel @p0 .LBB2_1-.Ltmp3, $4  }
0x151: {  	[hbm4b:s5+s11] =	stream.strided.scatter [tilespmem:s13], [sflag:$0x3], $0x100, s12, s11, $0x38;
	[tilespmem:$0x11100] =	vst v63  }
0x152: {  	_ =	swait.ge [sflag:s14], $0x100  }
0x153: {  	[sflag:s14] =	ssyncset.done $0x0  }
0x154: {  	[sflag:s14] =	ssyncadd.s32 $0xFFFFFF00  }
0x155: {  	_ =	sfence.sel $0x180000  }
0x156: {  	[bflag:$0x0] =	sbarrier.arrive $0xFFFF  }
0x157: {  	p0 =	sne.s32 s1, $0x0;
	_ =	strace $0x90000047  }
0x158: {  	s0 =	sadd.s32 @!p0 $0x100000, s0;
	[bflag:$0x2] =	sbarrier.arrive $0xFFFF  }
0x159: {  	[sflag:s0] =	ssyncadd.tile.s32 @!p0 $0x1;
	_ =	shalt  }
.Lfunc_end2:
_tile_overlayer_lowered:
.L_overlay_start_2:
0x15a: {  	(tag) =	ssettag $0x2  }
0x15b: {  	s0 =	rddreg [dreg:$0x0];
	s2 =	stileid.u32  }
0x15c: {  	s1 =	rddreg [dreg:$0x1];
	p0 =	sne.s32 s2, $0x0  }
0x15d: {  	s3 =	rddreg [dreg:$0x2];
	[bflag:$0x3] =	sbarrier.arrive $0xFFFF;
	s2 =	simm.s32 @!p0 $0x1C03  }
0x15e: {  	[timem:s3], [sflag:s2] =	dma.local @!p0 [hbm:s0], s1  }
0x15f: {  	s0 =	simm.s32 @!p0 $0x3  }
0x160: {  	_ =	swait.ge @!p0 [sflag:s0], s1  }
0x161: {  	s1 =	ssub.s32 @!p0 $0x0, s1;
	[sflag:s0] =	ssyncset.done @!p0 $0x0  }
0x162: {  	[sflag:s0] =	ssyncadd.s32 @!p0 s1  }
0x163: {  	[bflag:$0x3] =	sbarrier.arrive $0xFFFF  }
0x164: {  	_ =	shalt  }

</sc_bundles>
